<compile_context>
chip_gen: v7x
topology: tpu7x:2x2x1
jax: 0.10.2.dev20260603
libtpu: 0.0.44.dev20260713+nightly
codegen_flags: <defaults>
</compile_context>

<pallas_src>
import numpy as np

import jax
import jax.numpy as jnp
from jax import lax
from jax.experimental import pallas as pl
from jax.experimental.pallas import tpu as pltpu
from jax.experimental.pallas import tpu_sc as plsc

N = 10000
CIN = 128
COUT = 128
KVOL = 27
BN_EPS = 1e-5
SLOPE = 0.01

NC = 2
NS = 16
GB = 40
NGROUP = 256
NP = NGROUP * GB

FAST_CID = 0
NG_FAST = 14
NG_SLOW = 2
CH_FAST = NG_FAST * GB
CH_SLOW = NG_SLOW * GB


def _assign() -> np.ndarray:
    a = np.zeros((NC * NS, NG_FAST), dtype=np.int32)
    for w in range(NC * NS):
        cid, sid = w % NC, w // NC
        if cid == FAST_CID:
            a[w, :] = np.arange(sid * NG_FAST, (sid + 1) * NG_FAST)
        else:
            g0 = NS * NG_FAST + sid * NG_SLOW
            a[w, :NG_SLOW] = np.arange(g0, g0 + NG_SLOW)
            a[w, NG_SLOW:] = 0
    return a


_BLK = 256


def _mm_body(x_ref, w_ref, y_ref):
    x = x_ref[...].astype(jnp.bfloat16)
    w = w_ref[...].astype(jnp.bfloat16)
    for k in range(KVOL):
        y_ref[k] = jnp.dot(x, w[k], preferred_element_type=jnp.float32)


def _stage1(xb, wb):
    return pl.pallas_call(
        _mm_body,
        grid=(NP // _BLK,),
        in_specs=[
            pl.BlockSpec((_BLK, CIN), lambda i: (i, 0)),
            pl.BlockSpec((KVOL, CIN, COUT), lambda i: (0, 0, 0)),
        ],
        out_specs=pl.BlockSpec((KVOL, _BLK, COUT), lambda i: (0, i, 0)),
        out_shape=jax.ShapeDtypeStruct((KVOL, NP, COUT), jnp.float32),
    )(xb, wb)


def _sc_body(y_hbm, idx_hbm, conv_hbm, idx_v, acc, sem):
    cid = lax.axis_index("c")
    sid = lax.axis_index("s")
    w = sid * NC + cid

    pltpu.sync_copy(idx_hbm.at[w], idx_v)

    def fire(k, gsrc, gdst, add):
        return pltpu.async_copy(
            y_hbm.at[idx_v.at[k, gsrc]],
            acc.at[pl.ds(gdst * GB, GB)],
            sem,
            add=add,
        )

    def drain(g):
        pltpu.make_async_copy(
            y_hbm.at[idx_v.at[0, g]],
            acc.at[pl.ds(g * GB, GB)],
            sem,
        ).wait()

    def run(ng, g0, base):
        for g in range(ng):
            fire(0, g0 + g, g, False)

        def body(k, carry):
            for g in range(ng):
                drain(g)
                fire(k, g0 + g, g, True)
            return carry

        lax.fori_loop(1, KVOL, body, 0)
        for g in range(ng):
            drain(g)
        pltpu.sync_copy(
            acc.at[pl.ds(0, ng * GB)], conv_hbm.at[pl.ds(base, ng * GB)]
        )

    @pl.when(cid == FAST_CID)
    def _fast():
        run(NG_FAST, 0, sid * CH_FAST)

    @pl.when(cid != FAST_CID)
    def _slow():
        run(NG_SLOW, 0, NS * CH_FAST + sid * CH_SLOW)


def _stage2(y_flat, idxg):
    mesh = plsc.VectorSubcoreMesh(
        core_axis_name="c", subcore_axis_name="s", num_cores=NC,
        num_subcores=NS,
    )
    f = pl.kernel(
        _sc_body,
        out_type=jax.ShapeDtypeStruct((NP, COUT), jnp.float32),
        mesh=mesh,
        scratch_types=[
            pltpu.VMEM((KVOL, NG_FAST, GB), jnp.int32),
            pltpu.VMEM((CH_FAST, COUT), jnp.float32),
            pltpu.SemaphoreType.DMA,
        ],
    )
    return f(y_flat, idxg)


_RB = 2000


def _bn_body(c_ref, g_ref, b_ref, o_ref, s_ref, q_ref):
    p = pl.program_id(0)
    i = pl.program_id(1)
    c = c_ref[...]

    @pl.when((p == 0) & (i == 0))
    def _init():
        s_ref[...] = jnp.zeros_like(s_ref)
        q_ref[...] = jnp.zeros_like(q_ref)

    @pl.when(p == 0)
    def _accumulate():
        s_ref[...] += jnp.sum(c, axis=0, keepdims=True)
        q_ref[...] += jnp.sum(c * c, axis=0, keepdims=True)
        o_ref[...] = jnp.zeros_like(o_ref)

    @pl.when(p == 1)
    def _normalize():
        mean = s_ref[...] * (1.0 / N)
        var = q_ref[...] * (1.0 / N) - mean * mean
        inv = lax.rsqrt(var + BN_EPS)
        scale = g_ref[...] * inv
        shift = b_ref[...] - mean * scale
        o = c * scale + shift
        o_ref[...] = jnp.where(o >= 0, o, SLOPE * o)


def _stage3(conv, gamma2, beta2):
    return pl.pallas_call(
        _bn_body,
        grid=(2, N // _RB),
        in_specs=[
            pl.BlockSpec((_RB, COUT), lambda p, i: (i, 0)),
            pl.BlockSpec((1, COUT), lambda p, i: (0, 0)),
            pl.BlockSpec((1, COUT), lambda p, i: (0, 0)),
        ],
        out_specs=pl.BlockSpec((_RB, COUT), lambda p, i: (i, 0)),
        out_shape=jax.ShapeDtypeStruct((N, COUT), jnp.float32),
        scratch_shapes=[
            pltpu.VMEM((1, COUT), jnp.float32),
            pltpu.VMEM((1, COUT), jnp.float32),
        ],
    )(conv, gamma2, beta2)


def kernel(x, neighbor_idx, W, gamma, beta):
    y = _stage1(x, W)
    y_flat = y.reshape(KVOL * NP, COUT)

    idx32 = neighbor_idx.astype(jnp.int32)
    flat = idx32 + (jnp.arange(KVOL, dtype=jnp.int32) * NP)[None, :]
    flat = jnp.pad(flat, ((0, NP - N), (0, 0)))
    groups = flat.reshape(NGROUP, GB, KVOL).transpose(0, 2, 1)
    idxg = groups[jnp.asarray(_assign())]
    idxg = idxg.transpose(0, 2, 1, 3)

    conv = _stage2(y_flat, idxg)
    return _stage3(conv, gamma.reshape(1, -1), beta.reshape(1, -1))

# --- scband reference (transcript-rebuilt; emitter-appended) ---
"""Pipeline reference for scband-fvdb-conv-norm-act-8804682957039 (READ-ONLY COPY).

The authoritative reference and input builder live on the scoring server;
editing this copy changes nothing except your own understanding.
"""

import jax, jax.numpy as jnp
import numpy as np

N = 10000
CIN = 128
COUT = 128
KVOL = 27  # 3x3x3 kernel taps
BN_EPS = 1e-5
LEAKY_SLOPE = 0.01


def setup_inputs(seed: int = 0) -> dict:
    key = jax.random.key(seed)
    k_x, k_idx, k_w, k_g, k_b = jax.random.split(key, 5)
    x = jax.random.normal(k_x, (N, CIN), dtype=jnp.float32)
    # neighbor map: for each active voxel, the source-voxel index feeding each of
    # the 27 kernel taps (stand-in for the fvdb ConvolutionPlan gather topology)
    neighbor_idx = jax.random.randint(k_idx, (N, KVOL), 0, N, dtype=jnp.int64)
    # sparse conv weights: one Cin x Cout matrix per kernel tap
    fan_in = KVOL * CIN
    W = jax.random.normal(k_w, (KVOL, CIN, COUT), dtype=jnp.float32) / np.sqrt(fan_in)
    gamma = jnp.ones((COUT,), dtype=jnp.float32)
    beta = jnp.zeros((COUT,), dtype=jnp.float32)
    return {"x": x, "neighbor_idx": neighbor_idx, "W": W, "gamma": gamma, "beta": beta}


def reference(x, neighbor_idx, W, gamma, beta):
    # SparseConv3d via plan: gather neighbor features for each kernel tap,
    # then contract with per-tap weight matrices.
    gathered = jnp.take(x, neighbor_idx, axis=0)          # [N, KVOL, CIN]
    out = jnp.einsum('nkc,kcd->nd', gathered, W)          # [N, COUT]
    # fvnn.BatchNorm over all active voxels (training-mode batch stats)
    mean = jnp.mean(out, axis=0)
    var = jnp.var(out, axis=0)
    out = (out - mean) * jax.lax.rsqrt(var + BN_EPS)
    out = out * gamma + beta
    # LeakyReLU activation
    out = jnp.where(out >= 0, out, LEAKY_SLOPE * out)
    return out

if __name__ == "__main__":
    import jax
    _d = setup_inputs()
    print(jax.jit(kernel)(*tuple(_d.values())))

</pallas_src>

<mosaic_0001>
#map = affine_map<(d0, d1) -> (0, 0)>
#map1 = affine_map<(d0, d1) -> (0, 0, 0, 0)>
module attributes {stable_mosaic.version = 14 : i64} {
  func.func @_sc_body(%arg0: i32, %arg1: i32, %arg2: memref<276480x128xf32, #tpu.memory_space<hbm>>, %arg3: memref<32x27x14x40xi32, #tpu.memory_space<hbm>>, %arg4: memref<10240x128xf32, #tpu.memory_space<hbm>>, %arg5: memref<27x14x40xi32, #tpu.memory_space<vmem>>, %arg6: memref<560x128xf32, #tpu.memory_space<vmem>>, %arg7: memref<!tpu.dma_semaphore, #tpu.memory_space<semaphore_mem>>) attributes {dimension_semantics = [#tpu.dimension_semantics<core_parallel>, #tpu.dimension_semantics<subcore_parallel>], iteration_bounds = array<i64: 2, 16>, scalar_prefetch = 0 : i64, scratch_operands = 3 : i64, tpu.core_type = #tpu.core_type<sc_vector_subcore>, window_params = [{transform_indices = #map}, {transform_indices = #map1}, {transform_indices = #map}]} {
    %mul3A = arith.constant 2 : i32
    %mul3A_0 = arith.muli %arg1, %mul3A : i32
    %add3A = arith.addi %mul3A_0, %arg0 : i32
    "tpu.region"() ({
      %run_scoped3A = tpu.sem_alloc : memref<!tpu.dma_semaphore, #tpu.memory_space<semaphore_mem>>
      %dma_start3A = arith.constant 0 : i32
      %dma_start3A_7 = arith.constant 0 : i32
      %dma_start3A_8 = arith.constant 0 : i32
      %dma_start3A_9 = tpu.memref_slice %arg3[%add3A, %dma_start3A, %dma_start3A_7, %dma_start3A_8] : memref<32x27x14x40xi32, #tpu.memory_space<hbm>> -> memref<1x27x14x40xi32, #tpu.memory_space<hbm>>
      %dma_start3A_10 = tpu.memref_squeeze %dma_start3A_9 : memref<1x27x14x40xi32, #tpu.memory_space<hbm>> -> memref<27x14x40xi32, #tpu.memory_space<hbm>>
      %dma_start3A_11 = arith.constant 0 : i32
      %dma_start3A_12 = arith.constant 0 : i32
      %dma_start3A_13 = arith.constant 0 : i32
      %dma_start3A_14 = tpu.memref_slice %arg3[%add3A, %dma_start3A_11, %dma_start3A_12, %dma_start3A_13] : memref<32x27x14x40xi32, #tpu.memory_space<hbm>> -> memref<1x27x14x40xi32, #tpu.memory_space<hbm>>
      %dma_start3A_15 = tpu.memref_squeeze %dma_start3A_14 : memref<1x27x14x40xi32, #tpu.memory_space<hbm>> -> memref<27x14x40xi32, #tpu.memory_space<hbm>>
      tpu.enqueue_dma source(%dma_start3A_15 : memref<27x14x40xi32, #tpu.memory_space<hbm>>) target(%arg5 : memref<27x14x40xi32, #tpu.memory_space<vmem>>) target_semaphore(%run_scoped3A : memref<!tpu.dma_semaphore, #tpu.memory_space<semaphore_mem>>)
      %dma_wait3A = arith.constant 0 : i32
      %dma_wait3A_16 = arith.constant 0 : i32
      %dma_wait3A_17 = arith.constant 0 : i32
      %dma_wait3A_18 = tpu.memref_slice %arg3[%add3A, %dma_wait3A, %dma_wait3A_16, %dma_wait3A_17] : memref<32x27x14x40xi32, #tpu.memory_space<hbm>> -> memref<1x27x14x40xi32, #tpu.memory_space<hbm>>
      %dma_wait3A_19 = tpu.memref_squeeze %dma_wait3A_18 : memref<1x27x14x40xi32, #tpu.memory_space<hbm>> -> memref<27x14x40xi32, #tpu.memory_space<hbm>>
      %dma_wait3A_20 = arith.constant 0 : i32
      %dma_wait3A_21 = arith.constant 0 : i32
      %dma_wait3A_22 = arith.constant 0 : i32
      %dma_wait3A_23 = tpu.memref_slice %arg3[%add3A, %dma_wait3A_20, %dma_wait3A_21, %dma_wait3A_22] : memref<32x27x14x40xi32, #tpu.memory_space<hbm>> -> memref<1x27x14x40xi32, #tpu.memory_space<hbm>>
      %dma_wait3A_24 = tpu.memref_squeeze %dma_wait3A_23 : memref<1x27x14x40xi32, #tpu.memory_space<hbm>> -> memref<27x14x40xi32, #tpu.memory_space<hbm>>
      tpu.wait_dma2 semaphore(%run_scoped3A : memref<!tpu.dma_semaphore, #tpu.memory_space<semaphore_mem>>) src(%dma_wait3A_24 : memref<27x14x40xi32, #tpu.memory_space<hbm>>) dst(%arg5 : memref<27x14x40xi32, #tpu.memory_space<vmem>>)
      tpu.yield
    }) : () -> ()
    %eq3A = arith.constant 0 : i32
    %eq3A_1 = arith.cmpi eq, %arg0, %eq3A : i32
    %convert_element_type3A = arith.extui %eq3A_1 : i1 to i32
    %cond3A = arith.constant 0 : i32
    %cond3A_2 = arith.cmpi ne, %convert_element_type3A, %cond3A : i32
    scf.if %cond3A_2 {
      %mul3A_7 = arith.constant 560 : i32
      %mul3A_8 = arith.muli %arg1, %mul3A_7 : i32
      %dma_start3A = arith.constant 0 : i32
      %dma_start3A_9 = arith.constant 0 : i32
      %dma_start3A_10 = arith.constant 0 : i32
      %dma_start3A_11 = arith.constant 0 : i32
      %dma_start3A_12 = tpu.memref_slice %arg6[%dma_start3A_10, %dma_start3A_11] : memref<560x128xf32, #tpu.memory_space<vmem>> -> memref<40x128xf32, #tpu.memory_space<vmem>>
      %dma_start3A_13 = arith.constant 0 : i32
      %dma_start3A_14 = tpu.memref_slice %arg5[%dma_start3A, %dma_start3A_9, %dma_start3A_13] : memref<27x14x40xi32, #tpu.memory_space<vmem>> -> memref<1x1x40xi32, #tpu.memory_space<vmem>>
      %dma_start3A_15 = tpu.memref_squeeze %dma_start3A_14 : memref<1x1x40xi32, #tpu.memory_space<vmem>> -> memref<40xi32, #tpu.memory_space<vmem>>
      %dma_start3A_16 = arith.constant 0 : i32
      %dma_start3A_17 = arith.constant 0 : i32
      %dma_start3A_18 = tpu.memref_slice %arg2[%dma_start3A_16, %dma_start3A_17] : memref<276480x128xf32, #tpu.memory_space<hbm>> -> memref<276480x128xf32, #tpu.memory_space<hbm>>
      tpu.enqueue_indirect_dma source(%dma_start3A_18 : memref<276480x128xf32, #tpu.memory_space<hbm>>) target(%dma_start3A_12 : memref<40x128xf32, #tpu.memory_space<vmem>>) offsets(%dma_start3A_15 : memref<40xi32, #tpu.memory_space<vmem>>) semaphore(%arg7 : memref<!tpu.dma_semaphore, #tpu.memory_space<semaphore_mem>>)
      %dma_start3A_19 = arith.constant 0 : i32
      %dma_start3A_20 = arith.constant 1 : i32
      %dma_start3A_21 = arith.constant 40 : i32
      %dma_start3A_22 = arith.constant 0 : i32
      %dma_start3A_23 = tpu.memref_slice %arg6[%dma_start3A_21, %dma_start3A_22] : memref<560x128xf32, #tpu.memory_space<vmem>> -> memref<40x128xf32, #tpu.memory_space<vmem>>
      %dma_start3A_24 = arith.constant 0 : i32
      %dma_start3A_25 = tpu.memref_slice %arg5[%dma_start3A_19, %dma_start3A_20, %dma_start3A_24] : memref<27x14x40xi32, #tpu.memory_space<vmem>> -> memref<1x1x40xi32, #tpu.memory_space<vmem>>
      %dma_start3A_26 = tpu.memref_squeeze %dma_start3A_25 : memref<1x1x40xi32, #tpu.memory_space<vmem>> -> memref<40xi32, #tpu.memory_space<vmem>>
      %dma_start3A_27 = arith.constant 0 : i32
      %dma_start3A_28 = arith.constant 0 : i32
      %dma_start3A_29 = tpu.memref_slice %arg2[%dma_start3A_27, %dma_start3A_28] : memref<276480x128xf32, #tpu.memory_space<hbm>> -> memref<276480x128xf32, #tpu.memory_space<hbm>>
      tpu.enqueue_indirect_dma source(%dma_start3A_29 : memref<276480x128xf32, #tpu.memory_space<hbm>>) target(%dma_start3A_23 : memref<40x128xf32, #tpu.memory_space<vmem>>) offsets(%dma_start3A_26 : memref<40xi32, #tpu.memory_space<vmem>>) semaphore(%arg7 : memref<!tpu.dma_semaphore, #tpu.memory_space<semaphore_mem>>)
      %dma_start3A_30 = arith.constant 0 : i32
      %dma_start3A_31 = arith.constant 2 : i32
      %dma_start3A_32 = arith.constant 80 : i32
      %dma_start3A_33 = arith.constant 0 : i32
      %dma_start3A_34 = tpu.memref_slice %arg6[%dma_start3A_32, %dma_start3A_33] : memref<560x128xf32, #tpu.memory_space<vmem>> -> memref<40x128xf32, #tpu.memory_space<vmem>>
      %dma_start3A_35 = arith.constant 0 : i32
      %dma_start3A_36 = tpu.memref_slice %arg5[%dma_start3A_30, %dma_start3A_31, %dma_start3A_35] : memref<27x14x40xi32, #tpu.memory_space<vmem>> -> memref<1x1x40xi32, #tpu.memory_space<vmem>>
      %dma_start3A_37 = tpu.memref_squeeze %dma_start3A_36 : memref<1x1x40xi32, #tpu.memory_space<vmem>> -> memref<40xi32, #tpu.memory_space<vmem>>
      %dma_start3A_38 = arith.constant 0 : i32
      %dma_start3A_39 = arith.constant 0 : i32
      %dma_start3A_40 = tpu.memref_slice %arg2[%dma_start3A_38, %dma_start3A_39] : memref<276480x128xf32, #tpu.memory_space<hbm>> -> memref<276480x128xf32, #tpu.memory_space<hbm>>
      tpu.enqueue_indirect_dma source(%dma_start3A_40 : memref<276480x128xf32, #tpu.memory_space<hbm>>) target(%dma_start3A_34 : memref<40x128xf32, #tpu.memory_space<vmem>>) offsets(%dma_start3A_37 : memref<40xi32, #tpu.memory_space<vmem>>) semaphore(%arg7 : memref<!tpu.dma_semaphore, #tpu.memory_space<semaphore_mem>>)
      %dma_start3A_41 = arith.constant 0 : i32
      %dma_start3A_42 = arith.constant 3 : i32
      %dma_start3A_43 = arith.constant 120 : i32
      %dma_start3A_44 = arith.constant 0 : i32
      %dma_start3A_45 = tpu.memref_slice %arg6[%dma_start3A_43, %dma_start3A_44] : memref<560x128xf32, #tpu.memory_space<vmem>> -> memref<40x128xf32, #tpu.memory_space<vmem>>
      %dma_start3A_46 = arith.constant 0 : i32
      %dma_start3A_47 = tpu.memref_slice %arg5[%dma_start3A_41, %dma_start3A_42, %dma_start3A_46] : memref<27x14x40xi32, #tpu.memory_space<vmem>> -> memref<1x1x40xi32, #tpu.memory_space<vmem>>
      %dma_start3A_48 = tpu.memref_squeeze %dma_start3A_47 : memref<1x1x40xi32, #tpu.memory_space<vmem>> -> memref<40xi32, #tpu.memory_space<vmem>>
      %dma_start3A_49 = arith.constant 0 : i32
      %dma_start3A_50 = arith.constant 0 : i32
      %dma_start3A_51 = tpu.memref_slice %arg2[%dma_start3A_49, %dma_start3A_50] : memref<276480x128xf32, #tpu.memory_space<hbm>> -> memref<276480x128xf32, #tpu.memory_space<hbm>>
      tpu.enqueue_indirect_dma source(%dma_start3A_51 : memref<276480x128xf32, #tpu.memory_space<hbm>>) target(%dma_start3A_45 : memref<40x128xf32, #tpu.memory_space<vmem>>) offsets(%dma_start3A_48 : memref<40xi32, #tpu.memory_space<vmem>>) semaphore(%arg7 : memref<!tpu.dma_semaphore, #tpu.memory_space<semaphore_mem>>)
      %dma_start3A_52 = arith.constant 0 : i32
      %dma_start3A_53 = arith.constant 4 : i32
      %dma_start3A_54 = arith.constant 160 : i32
      %dma_start3A_55 = arith.constant 0 : i32
      %dma_start3A_56 = tpu.memref_slice %arg6[%dma_start3A_54, %dma_start3A_55] : memref<560x128xf32, #tpu.memory_space<vmem>> -> memref<40x128xf32, #tpu.memory_space<vmem>>
      %dma_start3A_57 = arith.constant 0 : i32
      %dma_start3A_58 = tpu.memref_slice %arg5[%dma_start3A_52, %dma_start3A_53, %dma_start3A_57] : memref<27x14x40xi32, #tpu.memory_space<vmem>> -> memref<1x1x40xi32, #tpu.memory_space<vmem>>
      %dma_start3A_59 = tpu.memref_squeeze %dma_start3A_58 : memref<1x1x40xi32, #tpu.memory_space<vmem>> -> memref<40xi32, #tpu.memory_space<vmem>>
      %dma_start3A_60 = arith.constant 0 : i32
      %dma_start3A_61 = arith.constant 0 : i32
      %dma_start3A_62 = tpu.memref_slice %arg2[%dma_start3A_60, %dma_start3A_61] : memref<276480x128xf32, #tpu.memory_space<hbm>> -> memref<276480x128xf32, #tpu.memory_space<hbm>>
      tpu.enqueue_indirect_dma source(%dma_start3A_62 : memref<276480x128xf32, #tpu.memory_space<hbm>>) target(%dma_start3A_56 : memref<40x128xf32, #tpu.memory_space<vmem>>) offsets(%dma_start3A_59 : memref<40xi32, #tpu.memory_space<vmem>>) semaphore(%arg7 : memref<!tpu.dma_semaphore, #tpu.memory_space<semaphore_mem>>)
      %dma_start3A_63 = arith.constant 0 : i32
      %dma_start3A_64 = arith.constant 5 : i32
      %dma_start3A_65 = arith.constant 200 : i32
      %dma_start3A_66 = arith.constant 0 : i32
      %dma_start3A_67 = tpu.memref_slice %arg6[%dma_start3A_65, %dma_start3A_66] : memref<560x128xf32, #tpu.memory_space<vmem>> -> memref<40x128xf32, #tpu.memory_space<vmem>>
      %dma_start3A_68 = arith.constant 0 : i32
      %dma_start3A_69 = tpu.memref_slice %arg5[%dma_start3A_63, %dma_start3A_64, %dma_start3A_68] : memref<27x14x40xi32, #tpu.memory_space<vmem>> -> memref<1x1x40xi32, #tpu.memory_space<vmem>>
      %dma_start3A_70 = tpu.memref_squeeze %dma_start3A_69 : memref<1x1x40xi32, #tpu.memory_space<vmem>> -> memref<40xi32, #tpu.memory_space<vmem>>
      %dma_start3A_71 = arith.constant 0 : i32
      %dma_start3A_72 = arith.constant 0 : i32
      %dma_start3A_73 = tpu.memref_slice %arg2[%dma_start3A_71, %dma_start3A_72] : memref<276480x128xf32, #tpu.memory_space<hbm>> -> memref<276480x128xf32, #tpu.memory_space<hbm>>
      tpu.enqueue_indirect_dma source(%dma_start3A_73 : memref<276480x128xf32, #tpu.memory_space<hbm>>) target(%dma_start3A_67 : memref<40x128xf32, #tpu.memory_space<vmem>>) offsets(%dma_start3A_70 : memref<40xi32, #tpu.memory_space<vmem>>) semaphore(%arg7 : memref<!tpu.dma_semaphore, #tpu.memory_space<semaphore_mem>>)
      %dma_start3A_74 = arith.constant 0 : i32
      %dma_start3A_75 = arith.constant 6 : i32
      %dma_start3A_76 = arith.constant 240 : i32
      %dma_start3A_77 = arith.constant 0 : i32
      %dma_start3A_78 = tpu.memref_slice %arg6[%dma_start3A_76, %dma_start3A_77] : memref<560x128xf32, #tpu.memory_space<vmem>> -> memref<40x128xf32, #tpu.memory_space<vmem>>
      %dma_start3A_79 = arith.constant 0 : i32
      %dma_start3A_80 = tpu.memref_slice %arg5[%dma_start3A_74, %dma_start3A_75, %dma_start3A_79] : memref<27x14x40xi32, #tpu.memory_space<vmem>> -> memref<1x1x40xi32, #tpu.memory_space<vmem>>
      %dma_start3A_81 = tpu.memref_squeeze %dma_start3A_80 : memref<1x1x40xi32, #tpu.memory_space<vmem>> -> memref<40xi32, #tpu.memory_space<vmem>>
      %dma_start3A_82 = arith.constant 0 : i32
      %dma_start3A_83 = arith.constant 0 : i32
      %dma_start3A_84 = tpu.memref_slice %arg2[%dma_start3A_82, %dma_start3A_83] : memref<276480x128xf32, #tpu.memory_space<hbm>> -> memref<276480x128xf32, #tpu.memory_space<hbm>>
      tpu.enqueue_indirect_dma source(%dma_start3A_84 : memref<276480x128xf32, #tpu.memory_space<hbm>>) target(%dma_start3A_78 : memref<40x128xf32, #tpu.memory_space<vmem>>) offsets(%dma_start3A_81 : memref<40xi32, #tpu.memory_space<vmem>>) semaphore(%arg7 : memref<!tpu.dma_semaphore, #tpu.memory_space<semaphore_mem>>)
      %dma_start3A_85 = arith.constant 0 : i32
      %dma_start3A_86 = arith.constant 7 : i32
      %dma_start3A_87 = arith.constant 280 : i32
      %dma_start3A_88 = arith.constant 0 : i32
      %dma_start3A_89 = tpu.memref_slice %arg6[%dma_start3A_87, %dma_start3A_88] : memref<560x128xf32, #tpu.memory_space<vmem>> -> memref<40x128xf32, #tpu.memory_space<vmem>>
      %dma_start3A_90 = arith.constant 0 : i32
      %dma_start3A_91 = tpu.memref_slice %arg5[%dma_start3A_85, %dma_start3A_86, %dma_start3A_90] : memref<27x14x40xi32, #tpu.memory_space<vmem>> -> memref<1x1x40xi32, #tpu.memory_space<vmem>>
      %dma_start3A_92 = tpu.memref_squeeze %dma_start3A_91 : memref<1x1x40xi32, #tpu.memory_space<vmem>> -> memref<40xi32, #tpu.memory_space<vmem>>
      %dma_start3A_93 = arith.constant 0 : i32
      %dma_start3A_94 = arith.constant 0 : i32
      %dma_start3A_95 = tpu.memref_slice %arg2[%dma_start3A_93, %dma_start3A_94] : memref<276480x128xf32, #tpu.memory_space<hbm>> -> memref<276480x128xf32, #tpu.memory_space<hbm>>
      tpu.enqueue_indirect_dma source(%dma_start3A_95 : memref<276480x128xf32, #tpu.memory_space<hbm>>) target(%dma_start3A_89 : memref<40x128xf32, #tpu.memory_space<vmem>>) offsets(%dma_start3A_92 : memref<40xi32, #tpu.memory_space<vmem>>) semaphore(%arg7 : memref<!tpu.dma_semaphore, #tpu.memory_space<semaphore_mem>>)
      %dma_start3A_96 = arith.constant 0 : i32
      %dma_start3A_97 = arith.constant 8 : i32
      %dma_start3A_98 = arith.constant 320 : i32
      %dma_start3A_99 = arith.constant 0 : i32
      %dma_start3A_100 = tpu.memref_slice %arg6[%dma_start3A_98, %dma_start3A_99] : memref<560x128xf32, #tpu.memory_space<vmem>> -> memref<40x128xf32, #tpu.memory_space<vmem>>
      %dma_start3A_101 = arith.constant 0 : i32
      %dma_start3A_102 = tpu.memref_slice %arg5[%dma_start3A_96, %dma_start3A_97, %dma_start3A_101] : memref<27x14x40xi32, #tpu.memory_space<vmem>> -> memref<1x1x40xi32, #tpu.memory_space<vmem>>
      %dma_start3A_103 = tpu.memref_squeeze %dma_start3A_102 : memref<1x1x40xi32, #tpu.memory_space<vmem>> -> memref<40xi32, #tpu.memory_space<vmem>>
      %dma_start3A_104 = arith.constant 0 : i32
      %dma_start3A_105 = arith.constant 0 : i32
      %dma_start3A_106 = tpu.memref_slice %arg2[%dma_start3A_104, %dma_start3A_105] : memref<276480x128xf32, #tpu.memory_space<hbm>> -> memref<276480x128xf32, #tpu.memory_space<hbm>>
      tpu.enqueue_indirect_dma source(%dma_start3A_106 : memref<276480x128xf32, #tpu.memory_space<hbm>>) target(%dma_start3A_100 : memref<40x128xf32, #tpu.memory_space<vmem>>) offsets(%dma_start3A_103 : memref<40xi32, #tpu.memory_space<vmem>>) semaphore(%arg7 : memref<!tpu.dma_semaphore, #tpu.memory_space<semaphore_mem>>)
      %dma_start3A_107 = arith.constant 0 : i32
      %dma_start3A_108 = arith.constant 9 : i32
      %dma_start3A_109 = arith.constant 360 : i32
      %dma_start3A_110 = arith.constant 0 : i32
      %dma_start3A_111 = tpu.memref_slice %arg6[%dma_start3A_109, %dma_start3A_110] : memref<560x128xf32, #tpu.memory_space<vmem>> -> memref<40x128xf32, #tpu.memory_space<vmem>>
      %dma_start3A_112 = arith.constant 0 : i32
      %dma_start3A_113 = tpu.memref_slice %arg5[%dma_start3A_107, %dma_start3A_108, %dma_start3A_112] : memref<27x14x40xi32, #tpu.memory_space<vmem>> -> memref<1x1x40xi32, #tpu.memory_space<vmem>>
      %dma_start3A_114 = tpu.memref_squeeze %dma_start3A_113 : memref<1x1x40xi32, #tpu.memory_space<vmem>> -> memref<40xi32, #tpu.memory_space<vmem>>
      %dma_start3A_115 = arith.constant 0 : i32
      %dma_start3A_116 = arith.constant 0 : i32
      %dma_start3A_117 = tpu.memref_slice %arg2[%dma_start3A_115, %dma_start3A_116] : memref<276480x128xf32, #tpu.memory_space<hbm>> -> memref<276480x128xf32, #tpu.memory_space<hbm>>
      tpu.enqueue_indirect_dma source(%dma_start3A_117 : memref<276480x128xf32, #tpu.memory_space<hbm>>) target(%dma_start3A_111 : memref<40x128xf32, #tpu.memory_space<vmem>>) offsets(%dma_start3A_114 : memref<40xi32, #tpu.memory_space<vmem>>) semaphore(%arg7 : memref<!tpu.dma_semaphore, #tpu.memory_space<semaphore_mem>>)
      %dma_start3A_118 = arith.constant 0 : i32
      %dma_start3A_119 = arith.constant 10 : i32
      %dma_start3A_120 = arith.constant 400 : i32
      %dma_start3A_121 = arith.constant 0 : i32
      %dma_start3A_122 = tpu.memref_slice %arg6[%dma_start3A_120, %dma_start3A_121] : memref<560x128xf32, #tpu.memory_space<vmem>> -> memref<40x128xf32, #tpu.memory_space<vmem>>
      %dma_start3A_123 = arith.constant 0 : i32
      %dma_start3A_124 = tpu.memref_slice %arg5[%dma_start3A_118, %dma_start3A_119, %dma_start3A_123] : memref<27x14x40xi32, #tpu.memory_space<vmem>> -> memref<1x1x40xi32, #tpu.memory_space<vmem>>
      %dma_start3A_125 = tpu.memref_squeeze %dma_start3A_124 : memref<1x1x40xi32, #tpu.memory_space<vmem>> -> memref<40xi32, #tpu.memory_space<vmem>>
      %dma_start3A_126 = arith.constant 0 : i32
      %dma_start3A_127 = arith.constant 0 : i32
      %dma_start3A_128 = tpu.memref_slice %arg2[%dma_start3A_126, %dma_start3A_127] : memref<276480x128xf32, #tpu.memory_space<hbm>> -> memref<276480x128xf32, #tpu.memory_space<hbm>>
      tpu.enqueue_indirect_dma source(%dma_start3A_128 : memref<276480x128xf32, #tpu.memory_space<hbm>>) target(%dma_start3A_122 : memref<40x128xf32, #tpu.memory_space<vmem>>) offsets(%dma_start3A_125 : memref<40xi32, #tpu.memory_space<vmem>>) semaphore(%arg7 : memref<!tpu.dma_semaphore, #tpu.memory_space<semaphore_mem>>)
      %dma_start3A_129 = arith.constant 0 : i32
      %dma_start3A_130 = arith.constant 11 : i32
      %dma_start3A_131 = arith.constant 440 : i32
      %dma_start3A_132 = arith.constant 0 : i32
      %dma_start3A_133 = tpu.memref_slice %arg6[%dma_start3A_131, %dma_start3A_132] : memref<560x128xf32, #tpu.memory_space<vmem>> -> memref<40x128xf32, #tpu.memory_space<vmem>>
      %dma_start3A_134 = arith.constant 0 : i32
      %dma_start3A_135 = tpu.memref_slice %arg5[%dma_start3A_129, %dma_start3A_130, %dma_start3A_134] : memref<27x14x40xi32, #tpu.memory_space<vmem>> -> memref<1x1x40xi32, #tpu.memory_space<vmem>>
      %dma_start3A_136 = tpu.memref_squeeze %dma_start3A_135 : memref<1x1x40xi32, #tpu.memory_space<vmem>> -> memref<40xi32, #tpu.memory_space<vmem>>
      %dma_start3A_137 = arith.constant 0 : i32
      %dma_start3A_138 = arith.constant 0 : i32
      %dma_start3A_139 = tpu.memref_slice %arg2[%dma_start3A_137, %dma_start3A_138] : memref<276480x128xf32, #tpu.memory_space<hbm>> -> memref<276480x128xf32, #tpu.memory_space<hbm>>
      tpu.enqueue_indirect_dma source(%dma_start3A_139 : memref<276480x128xf32, #tpu.memory_space<hbm>>) target(%dma_start3A_133 : memref<40x128xf32, #tpu.memory_space<vmem>>) offsets(%dma_start3A_136 : memref<40xi32, #tpu.memory_space<vmem>>) semaphore(%arg7 : memref<!tpu.dma_semaphore, #tpu.memory_space<semaphore_mem>>)
      %dma_start3A_140 = arith.constant 0 : i32
      %dma_start3A_141 = arith.constant 12 : i32
      %dma_start3A_142 = arith.constant 480 : i32
      %dma_start3A_143 = arith.constant 0 : i32
      %dma_start3A_144 = tpu.memref_slice %arg6[%dma_start3A_142, %dma_start3A_143] : memref<560x128xf32, #tpu.memory_space<vmem>> -> memref<40x128xf32, #tpu.memory_space<vmem>>
      %dma_start3A_145 = arith.constant 0 : i32
      %dma_start3A_146 = tpu.memref_slice %arg5[%dma_start3A_140, %dma_start3A_141, %dma_start3A_145] : memref<27x14x40xi32, #tpu.memory_space<vmem>> -> memref<1x1x40xi32, #tpu.memory_space<vmem>>
      %dma_start3A_147 = tpu.memref_squeeze %dma_start3A_146 : memref<1x1x40xi32, #tpu.memory_space<vmem>> -> memref<40xi32, #tpu.memory_space<vmem>>
      %dma_start3A_148 = arith.constant 0 : i32
      %dma_start3A_149 = arith.constant 0 : i32
      %dma_start3A_150 = tpu.memref_slice %arg2[%dma_start3A_148, %dma_start3A_149] : memref<276480x128xf32, #tpu.memory_space<hbm>> -> memref<276480x128xf32, #tpu.memory_space<hbm>>
      tpu.enqueue_indirect_dma source(%dma_start3A_150 : memref<276480x128xf32, #tpu.memory_space<hbm>>) target(%dma_start3A_144 : memref<40x128xf32, #tpu.memory_space<vmem>>) offsets(%dma_start3A_147 : memref<40xi32, #tpu.memory_space<vmem>>) semaphore(%arg7 : memref<!tpu.dma_semaphore, #tpu.memory_space<semaphore_mem>>)
      %dma_start3A_151 = arith.constant 0 : i32
      %dma_start3A_152 = arith.constant 13 : i32
      %dma_start3A_153 = arith.constant 520 : i32
      %dma_start3A_154 = arith.constant 0 : i32
      %dma_start3A_155 = tpu.memref_slice %arg6[%dma_start3A_153, %dma_start3A_154] : memref<560x128xf32, #tpu.memory_space<vmem>> -> memref<40x128xf32, #tpu.memory_space<vmem>>
      %dma_start3A_156 = arith.constant 0 : i32
      %dma_start3A_157 = tpu.memref_slice %arg5[%dma_start3A_151, %dma_start3A_152, %dma_start3A_156] : memref<27x14x40xi32, #tpu.memory_space<vmem>> -> memref<1x1x40xi32, #tpu.memory_space<vmem>>
      %dma_start3A_158 = tpu.memref_squeeze %dma_start3A_157 : memref<1x1x40xi32, #tpu.memory_space<vmem>> -> memref<40xi32, #tpu.memory_space<vmem>>
      %dma_start3A_159 = arith.constant 0 : i32
      %dma_start3A_160 = arith.constant 0 : i32
      %dma_start3A_161 = tpu.memref_slice %arg2[%dma_start3A_159, %dma_start3A_160] : memref<276480x128xf32, #tpu.memory_space<hbm>> -> memref<276480x128xf32, #tpu.memory_space<hbm>>
      tpu.enqueue_indirect_dma source(%dma_start3A_161 : memref<276480x128xf32, #tpu.memory_space<hbm>>) target(%dma_start3A_155 : memref<40x128xf32, #tpu.memory_space<vmem>>) offsets(%dma_start3A_158 : memref<40xi32, #tpu.memory_space<vmem>>) semaphore(%arg7 : memref<!tpu.dma_semaphore, #tpu.memory_space<semaphore_mem>>)
      %scan3A = arith.constant 0 : i32
      %scan3A_162 = arith.constant 1 : i32
      %scan3A_163 = arith.constant 26 : i32
      %scan3A_164 = arith.addi %scan3A_162, %scan3A_163 : i32
      %scan3A_165 = arith.constant 1 : i32
      scf.for %scan3A_320 = %scan3A_162 to %scan3A_164 step %scan3A_165  : i32 {
        %dma_wait3A_321 = arith.constant 0 : i32
        %dma_wait3A_322 = arith.constant 0 : i32
        %dma_wait3A_323 = arith.constant 0 : i32
        %dma_wait3A_324 = arith.constant 0 : i32
        %dma_wait3A_325 = tpu.memref_slice %arg6[%dma_wait3A_323, %dma_wait3A_324] : memref<560x128xf32, #tpu.memory_space<vmem>> -> memref<40x128xf32, #tpu.memory_space<vmem>>
        %dma_wait3A_326 = arith.constant 0 : i32
        %dma_wait3A_327 = tpu.memref_slice %arg5[%dma_wait3A_321, %dma_wait3A_322, %dma_wait3A_326] : memref<27x14x40xi32, #tpu.memory_space<vmem>> -> memref<1x1x40xi32, #tpu.memory_space<vmem>>
        %dma_wait3A_328 = tpu.memref_squeeze %dma_wait3A_327 : memref<1x1x40xi32, #tpu.memory_space<vmem>> -> memref<40xi32, #tpu.memory_space<vmem>>
        %dma_wait3A_329 = arith.constant 0 : i32
        %dma_wait3A_330 = arith.constant 0 : i32
        %dma_wait3A_331 = tpu.memref_slice %arg2[%dma_wait3A_329, %dma_wait3A_330] : memref<276480x128xf32, #tpu.memory_space<hbm>> -> memref<276480x128xf32, #tpu.memory_space<hbm>>
        tpu.wait_indirect_dma semaphore(%arg7 : memref<!tpu.dma_semaphore, #tpu.memory_space<semaphore_mem>>) src(%dma_wait3A_331 : memref<276480x128xf32, #tpu.memory_space<hbm>>) dst(%dma_wait3A_325 : memref<40x128xf32, #tpu.memory_space<vmem>>)
        %dma_start3A_332 = arith.constant 0 : i32
        %dma_start3A_333 = arith.constant 0 : i32
        %dma_start3A_334 = arith.constant 0 : i32
        %dma_start3A_335 = tpu.memref_slice %arg6[%dma_start3A_333, %dma_start3A_334] : memref<560x128xf32, #tpu.memory_space<vmem>> -> memref<40x128xf32, #tpu.memory_space<vmem>>
        %dma_start3A_336 = arith.constant 0 : i32
        %dma_start3A_337 = tpu.memref_slice %arg5[%scan3A_320, %dma_start3A_332, %dma_start3A_336] : memref<27x14x40xi32, #tpu.memory_space<vmem>> -> memref<1x1x40xi32, #tpu.memory_space<vmem>>
        %dma_start3A_338 = tpu.memref_squeeze %dma_start3A_337 : memref<1x1x40xi32, #tpu.memory_space<vmem>> -> memref<40xi32, #tpu.memory_space<vmem>>
        %dma_start3A_339 = arith.constant 0 : i32
        %dma_start3A_340 = arith.constant 0 : i32
        %dma_start3A_341 = tpu.memref_slice %arg2[%dma_start3A_339, %dma_start3A_340] : memref<276480x128xf32, #tpu.memory_space<hbm>> -> memref<276480x128xf32, #tpu.memory_space<hbm>>
        tpu.enqueue_indirect_dma source(%dma_start3A_341 : memref<276480x128xf32, #tpu.memory_space<hbm>>) target(%dma_start3A_335 : memref<40x128xf32, #tpu.memory_space<vmem>>) offsets(%dma_start3A_338 : memref<40xi32, #tpu.memory_space<vmem>>) semaphore(%arg7 : memref<!tpu.dma_semaphore, #tpu.memory_space<semaphore_mem>>) {add = true}
        %dma_wait3A_342 = arith.constant 0 : i32
        %dma_wait3A_343 = arith.constant 1 : i32
        %dma_wait3A_344 = arith.constant 40 : i32
        %dma_wait3A_345 = arith.constant 0 : i32
        %dma_wait3A_346 = tpu.memref_slice %arg6[%dma_wait3A_344, %dma_wait3A_345] : memref<560x128xf32, #tpu.memory_space<vmem>> -> memref<40x128xf32, #tpu.memory_space<vmem>>
        %dma_wait3A_347 = arith.constant 0 : i32
        %dma_wait3A_348 = tpu.memref_slice %arg5[%dma_wait3A_342, %dma_wait3A_343, %dma_wait3A_347] : memref<27x14x40xi32, #tpu.memory_space<vmem>> -> memref<1x1x40xi32, #tpu.memory_space<vmem>>
        %dma_wait3A_349 = tpu.memref_squeeze %dma_wait3A_348 : memref<1x1x40xi32, #tpu.memory_space<vmem>> -> memref<40xi32, #tpu.memory_space<vmem>>
        %dma_wait3A_350 = arith.constant 0 : i32
        %dma_wait3A_351 = arith.constant 0 : i32
        %dma_wait3A_352 = tpu.memref_slice %arg2[%dma_wait3A_350, %dma_wait3A_351] : memref<276480x128xf32, #tpu.memory_space<hbm>> -> memref<276480x128xf32, #tpu.memory_space<hbm>>
        tpu.wait_indirect_dma semaphore(%arg7 : memref<!tpu.dma_semaphore, #tpu.memory_space<semaphore_mem>>) src(%dma_wait3A_352 : memref<276480x128xf32, #tpu.memory_space<hbm>>) dst(%dma_wait3A_346 : memref<40x128xf32, #tpu.memory_space<vmem>>)
        %dma_start3A_353 = arith.constant 1 : i32
        %dma_start3A_354 = arith.constant 40 : i32
        %dma_start3A_355 = arith.constant 0 : i32
        %dma_start3A_356 = tpu.memref_slice %arg6[%dma_start3A_354, %dma_start3A_355] : memref<560x128xf32, #tpu.memory_space<vmem>> -> memref<40x128xf32, #tpu.memory_space<vmem>>
        %dma_start3A_357 = arith.constant 0 : i32
        %dma_start3A_358 = tpu.memref_slice %arg5[%scan3A_320, %dma_start3A_353, %dma_start3A_357] : memref<27x14x40xi32, #tpu.memory_space<vmem>> -> memref<1x1x40xi32, #tpu.memory_space<vmem>>
        %dma_start3A_359 = tpu.memref_squeeze %dma_start3A_358 : memref<1x1x40xi32, #tpu.memory_space<vmem>> -> memref<40xi32, #tpu.memory_space<vmem>>
        %dma_start3A_360 = arith.constant 0 : i32
        %dma_start3A_361 = arith.constant 0 : i32
        %dma_start3A_362 = tpu.memref_slice %arg2[%dma_start3A_360, %dma_start3A_361] : memref<276480x128xf32, #tpu.memory_space<hbm>> -> memref<276480x128xf32, #tpu.memory_space<hbm>>
        tpu.enqueue_indirect_dma source(%dma_start3A_362 : memref<276480x128xf32, #tpu.memory_space<hbm>>) target(%dma_start3A_356 : memref<40x128xf32, #tpu.memory_space<vmem>>) offsets(%dma_start3A_359 : memref<40xi32, #tpu.memory_space<vmem>>) semaphore(%arg7 : memref<!tpu.dma_semaphore, #tpu.memory_space<semaphore_mem>>) {add = true}
        %dma_wait3A_363 = arith.constant 0 : i32
        %dma_wait3A_364 = arith.constant 2 : i32
        %dma_wait3A_365 = arith.constant 80 : i32
        %dma_wait3A_366 = arith.constant 0 : i32
        %dma_wait3A_367 = tpu.memref_slice %arg6[%dma_wait3A_365, %dma_wait3A_366] : memref<560x128xf32, #tpu.memory_space<vmem>> -> memref<40x128xf32, #tpu.memory_space<vmem>>
        %dma_wait3A_368 = arith.constant 0 : i32
        %dma_wait3A_369 = tpu.memref_slice %arg5[%dma_wait3A_363, %dma_wait3A_364, %dma_wait3A_368] : memref<27x14x40xi32, #tpu.memory_space<vmem>> -> memref<1x1x40xi32, #tpu.memory_space<vmem>>
        %dma_wait3A_370 = tpu.memref_squeeze %dma_wait3A_369 : memref<1x1x40xi32, #tpu.memory_space<vmem>> -> memref<40xi32, #tpu.memory_space<vmem>>
        %dma_wait3A_371 = arith.constant 0 : i32
        %dma_wait3A_372 = arith.constant 0 : i32
        %dma_wait3A_373 = tpu.memref_slice %arg2[%dma_wait3A_371, %dma_wait3A_372] : memref<276480x128xf32, #tpu.memory_space<hbm>> -> memref<276480x128xf32, #tpu.memory_space<hbm>>
        tpu.wait_indirect_dma semaphore(%arg7 : memref<!tpu.dma_semaphore, #tpu.memory_space<semaphore_mem>>) src(%dma_wait3A_373 : memref<276480x128xf32, #tpu.memory_space<hbm>>) dst(%dma_wait3A_367 : memref<40x128xf32, #tpu.memory_space<vmem>>)
        %dma_start3A_374 = arith.constant 2 : i32
        %dma_start3A_375 = arith.constant 80 : i32
        %dma_start3A_376 = arith.constant 0 : i32
        %dma_start3A_377 = tpu.memref_slice %arg6[%dma_start3A_375, %dma_start3A_376] : memref<560x128xf32, #tpu.memory_space<vmem>> -> memref<40x128xf32, #tpu.memory_space<vmem>>
        %dma_start3A_378 = arith.constant 0 : i32
        %dma_start3A_379 = tpu.memref_slice %arg5[%scan3A_320, %dma_start3A_374, %dma_start3A_378] : memref<27x14x40xi32, #tpu.memory_space<vmem>> -> memref<1x1x40xi32, #tpu.memory_space<vmem>>
        %dma_start3A_380 = tpu.memref_squeeze %dma_start3A_379 : memref<1x1x40xi32, #tpu.memory_space<vmem>> -> memref<40xi32, #tpu.memory_space<vmem>>
        %dma_start3A_381 = arith.constant 0 : i32
        %dma_start3A_382 = arith.constant 0 : i32
        %dma_start3A_383 = tpu.memref_slice %arg2[%dma_start3A_381, %dma_start3A_382] : memref<276480x128xf32, #tpu.memory_space<hbm>> -> memref<276480x128xf32, #tpu.memory_space<hbm>>
        tpu.enqueue_indirect_dma source(%dma_start3A_383 : memref<276480x128xf32, #tpu.memory_space<hbm>>) target(%dma_start3A_377 : memref<40x128xf32, #tpu.memory_space<vmem>>) offsets(%dma_start3A_380 : memref<40xi32, #tpu.memory_space<vmem>>) semaphore(%arg7 : memref<!tpu.dma_semaphore, #tpu.memory_space<semaphore_mem>>) {add = true}
        %dma_wait3A_384 = arith.constant 0 : i32
        %dma_wait3A_385 = arith.constant 3 : i32
        %dma_wait3A_386 = arith.constant 120 : i32
        %dma_wait3A_387 = arith.constant 0 : i32
        %dma_wait3A_388 = tpu.memref_slice %arg6[%dma_wait3A_386, %dma_wait3A_387] : memref<560x128xf32, #tpu.memory_space<vmem>> -> memref<40x128xf32, #tpu.memory_space<vmem>>
        %dma_wait3A_389 = arith.constant 0 : i32
        %dma_wait3A_390 = tpu.memref_slice %arg5[%dma_wait3A_384, %dma_wait3A_385, %dma_wait3A_389] : memref<27x14x40xi32, #tpu.memory_space<vmem>> -> memref<1x1x40xi32, #tpu.memory_space<vmem>>
        %dma_wait3A_391 = tpu.memref_squeeze %dma_wait3A_390 : memref<1x1x40xi32, #tpu.memory_space<vmem>> -> memref<40xi32, #tpu.memory_space<vmem>>
        %dma_wait3A_392 = arith.constant 0 : i32
        %dma_wait3A_393 = arith.constant 0 : i32
        %dma_wait3A_394 = tpu.memref_slice %arg2[%dma_wait3A_392, %dma_wait3A_393] : memref<276480x128xf32, #tpu.memory_space<hbm>> -> memref<276480x128xf32, #tpu.memory_space<hbm>>
        tpu.wait_indirect_dma semaphore(%arg7 : memref<!tpu.dma_semaphore, #tpu.memory_space<semaphore_mem>>) src(%dma_wait3A_394 : memref<276480x128xf32, #tpu.memory_space<hbm>>) dst(%dma_wait3A_388 : memref<40x128xf32, #tpu.memory_space<vmem>>)
        %dma_start3A_395 = arith.constant 3 : i32
        %dma_start3A_396 = arith.constant 120 : i32
        %dma_start3A_397 = arith.constant 0 : i32
        %dma_start3A_398 = tpu.memref_slice %arg6[%dma_start3A_396, %dma_start3A_397] : memref<560x128xf32, #tpu.memory_space<vmem>> -> memref<40x128xf32, #tpu.memory_space<vmem>>
        %dma_start3A_399 = arith.constant 0 : i32
        %dma_start3A_400 = tpu.memref_slice %arg5[%scan3A_320, %dma_start3A_395, %dma_start3A_399] : memref<27x14x40xi32, #tpu.memory_space<vmem>> -> memref<1x1x40xi32, #tpu.memory_space<vmem>>
        %dma_start3A_401 = tpu.memref_squeeze %dma_start3A_400 : memref<1x1x40xi32, #tpu.memory_space<vmem>> -> memref<40xi32, #tpu.memory_space<vmem>>
        %dma_start3A_402 = arith.constant 0 : i32
        %dma_start3A_403 = arith.constant 0 : i32
        %dma_start3A_404 = tpu.memref_slice %arg2[%dma_start3A_402, %dma_start3A_403] : memref<276480x128xf32, #tpu.memory_space<hbm>> -> memref<276480x128xf32, #tpu.memory_space<hbm>>
        tpu.enqueue_indirect_dma source(%dma_start3A_404 : memref<276480x128xf32, #tpu.memory_space<hbm>>) target(%dma_start3A_398 : memref<40x128xf32, #tpu.memory_space<vmem>>) offsets(%dma_start3A_401 : memref<40xi32, #tpu.memory_space<vmem>>) semaphore(%arg7 : memref<!tpu.dma_semaphore, #tpu.memory_space<semaphore_mem>>) {add = true}
        %dma_wait3A_405 = arith.constant 0 : i32
        %dma_wait3A_406 = arith.constant 4 : i32
        %dma_wait3A_407 = arith.constant 160 : i32
        %dma_wait3A_408 = arith.constant 0 : i32
        %dma_wait3A_409 = tpu.memref_slice %arg6[%dma_wait3A_407, %dma_wait3A_408] : memref<560x128xf32, #tpu.memory_space<vmem>> -> memref<40x128xf32, #tpu.memory_space<vmem>>
        %dma_wait3A_410 = arith.constant 0 : i32
        %dma_wait3A_411 = tpu.memref_slice %arg5[%dma_wait3A_405, %dma_wait3A_406, %dma_wait3A_410] : memref<27x14x40xi32, #tpu.memory_space<vmem>> -> memref<1x1x40xi32, #tpu.memory_space<vmem>>
        %dma_wait3A_412 = tpu.memref_squeeze %dma_wait3A_411 : memref<1x1x40xi32, #tpu.memory_space<vmem>> -> memref<40xi32, #tpu.memory_space<vmem>>
        %dma_wait3A_413 = arith.constant 0 : i32
        %dma_wait3A_414 = arith.constant 0 : i32
        %dma_wait3A_415 = tpu.memref_slice %arg2[%dma_wait3A_413, %dma_wait3A_414] : memref<276480x128xf32, #tpu.memory_space<hbm>> -> memref<276480x128xf32, #tpu.memory_space<hbm>>
        tpu.wait_indirect_dma semaphore(%arg7 : memref<!tpu.dma_semaphore, #tpu.memory_space<semaphore_mem>>) src(%dma_wait3A_415 : memref<276480x128xf32, #tpu.memory_space<hbm>>) dst(%dma_wait3A_409 : memref<40x128xf32, #tpu.memory_space<vmem>>)
        %dma_start3A_416 = arith.constant 4 : i32
        %dma_start3A_417 = arith.constant 160 : i32
        %dma_start3A_418 = arith.constant 0 : i32
        %dma_start3A_419 = tpu.memref_slice %arg6[%dma_start3A_417, %dma_start3A_418] : memref<560x128xf32, #tpu.memory_space<vmem>> -> memref<40x128xf32, #tpu.memory_space<vmem>>
        %dma_start3A_420 = arith.constant 0 : i32
        %dma_start3A_421 = tpu.memref_slice %arg5[%scan3A_320, %dma_start3A_416, %dma_start3A_420] : memref<27x14x40xi32, #tpu.memory_space<vmem>> -> memref<1x1x40xi32, #tpu.memory_space<vmem>>
        %dma_start3A_422 = tpu.memref_squeeze %dma_start3A_421 : memref<1x1x40xi32, #tpu.memory_space<vmem>> -> memref<40xi32, #tpu.memory_space<vmem>>
        %dma_start3A_423 = arith.constant 0 : i32
        %dma_start3A_424 = arith.constant 0 : i32
        %dma_start3A_425 = tpu.memref_slice %arg2[%dma_start3A_423, %dma_start3A_424] : memref<276480x128xf32, #tpu.memory_space<hbm>> -> memref<276480x128xf32, #tpu.memory_space<hbm>>
        tpu.enqueue_indirect_dma source(%dma_start3A_425 : memref<276480x128xf32, #tpu.memory_space<hbm>>) target(%dma_start3A_419 : memref<40x128xf32, #tpu.memory_space<vmem>>) offsets(%dma_start3A_422 : memref<40xi32, #tpu.memory_space<vmem>>) semaphore(%arg7 : memref<!tpu.dma_semaphore, #tpu.memory_space<semaphore_mem>>) {add = true}
        %dma_wait3A_426 = arith.constant 0 : i32
        %dma_wait3A_427 = arith.constant 5 : i32
        %dma_wait3A_428 = arith.constant 200 : i32
        %dma_wait3A_429 = arith.constant 0 : i32
        %dma_wait3A_430 = tpu.memref_slice %arg6[%dma_wait3A_428, %dma_wait3A_429] : memref<560x128xf32, #tpu.memory_space<vmem>> -> memref<40x128xf32, #tpu.memory_space<vmem>>
        %dma_wait3A_431 = arith.constant 0 : i32
        %dma_wait3A_432 = tpu.memref_slice %arg5[%dma_wait3A_426, %dma_wait3A_427, %dma_wait3A_431] : memref<27x14x40xi32, #tpu.memory_space<vmem>> -> memref<1x1x40xi32, #tpu.memory_space<vmem>>
        %dma_wait3A_433 = tpu.memref_squeeze %dma_wait3A_432 : memref<1x1x40xi32, #tpu.memory_space<vmem>> -> memref<40xi32, #tpu.memory_space<vmem>>
        %dma_wait3A_434 = arith.constant 0 : i32
        %dma_wait3A_435 = arith.constant 0 : i32
        %dma_wait3A_436 = tpu.memref_slice %arg2[%dma_wait3A_434, %dma_wait3A_435] : memref<276480x128xf32, #tpu.memory_space<hbm>> -> memref<276480x128xf32, #tpu.memory_space<hbm>>
        tpu.wait_indirect_dma semaphore(%arg7 : memref<!tpu.dma_semaphore, #tpu.memory_space<semaphore_mem>>) src(%dma_wait3A_436 : memref<276480x128xf32, #tpu.memory_space<hbm>>) dst(%dma_wait3A_430 : memref<40x128xf32, #tpu.memory_space<vmem>>)
        %dma_start3A_437 = arith.constant 5 : i32
        %dma_start3A_438 = arith.constant 200 : i32
        %dma_start3A_439 = arith.constant 0 : i32
        %dma_start3A_440 = tpu.memref_slice %arg6[%dma_start3A_438, %dma_start3A_439] : memref<560x128xf32, #tpu.memory_space<vmem>> -> memref<40x128xf32, #tpu.memory_space<vmem>>
        %dma_start3A_441 = arith.constant 0 : i32
        %dma_start3A_442 = tpu.memref_slice %arg5[%scan3A_320, %dma_start3A_437, %dma_start3A_441] : memref<27x14x40xi32, #tpu.memory_space<vmem>> -> memref<1x1x40xi32, #tpu.memory_space<vmem>>
        %dma_start3A_443 = tpu.memref_squeeze %dma_start3A_442 : memref<1x1x40xi32, #tpu.memory_space<vmem>> -> memref<40xi32, #tpu.memory_space<vmem>>
        %dma_start3A_444 = arith.constant 0 : i32
        %dma_start3A_445 = arith.constant 0 : i32
        %dma_start3A_446 = tpu.memref_slice %arg2[%dma_start3A_444, %dma_start3A_445] : memref<276480x128xf32, #tpu.memory_space<hbm>> -> memref<276480x128xf32, #tpu.memory_space<hbm>>
        tpu.enqueue_indirect_dma source(%dma_start3A_446 : memref<276480x128xf32, #tpu.memory_space<hbm>>) target(%dma_start3A_440 : memref<40x128xf32, #tpu.memory_space<vmem>>) offsets(%dma_start3A_443 : memref<40xi32, #tpu.memory_space<vmem>>) semaphore(%arg7 : memref<!tpu.dma_semaphore, #tpu.memory_space<semaphore_mem>>) {add = true}
        %dma_wait3A_447 = arith.constant 0 : i32
        %dma_wait3A_448 = arith.constant 6 : i32
        %dma_wait3A_449 = arith.constant 240 : i32
        %dma_wait3A_450 = arith.constant 0 : i32
        %dma_wait3A_451 = tpu.memref_slice %arg6[%dma_wait3A_449, %dma_wait3A_450] : memref<560x128xf32, #tpu.memory_space<vmem>> -> memref<40x128xf32, #tpu.memory_space<vmem>>
        %dma_wait3A_452 = arith.constant 0 : i32
        %dma_wait3A_453 = tpu.memref_slice %arg5[%dma_wait3A_447, %dma_wait3A_448, %dma_wait3A_452] : memref<27x14x40xi32, #tpu.memory_space<vmem>> -> memref<1x1x40xi32, #tpu.memory_space<vmem>>
        %dma_wait3A_454 = tpu.memref_squeeze %dma_wait3A_453 : memref<1x1x40xi32, #tpu.memory_space<vmem>> -> memref<40xi32, #tpu.memory_space<vmem>>
        %dma_wait3A_455 = arith.constant 0 : i32
        %dma_wait3A_456 = arith.constant 0 : i32
        %dma_wait3A_457 = tpu.memref_slice %arg2[%dma_wait3A_455, %dma_wait3A_456] : memref<276480x128xf32, #tpu.memory_space<hbm>> -> memref<276480x128xf32, #tpu.memory_space<hbm>>
        tpu.wait_indirect_dma semaphore(%arg7 : memref<!tpu.dma_semaphore, #tpu.memory_space<semaphore_mem>>) src(%dma_wait3A_457 : memref<276480x128xf32, #tpu.memory_space<hbm>>) dst(%dma_wait3A_451 : memref<40x128xf32, #tpu.memory_space<vmem>>)
        %dma_start3A_458 = arith.constant 6 : i32
        %dma_start3A_459 = arith.constant 240 : i32
        %dma_start3A_460 = arith.constant 0 : i32
        %dma_start3A_461 = tpu.memref_slice %arg6[%dma_start3A_459, %dma_start3A_460] : memref<560x128xf32, #tpu.memory_space<vmem>> -> memref<40x128xf32, #tpu.memory_space<vmem>>
        %dma_start3A_462 = arith.constant 0 : i32
        %dma_start3A_463 = tpu.memref_slice %arg5[%scan3A_320, %dma_start3A_458, %dma_start3A_462] : memref<27x14x40xi32, #tpu.memory_space<vmem>> -> memref<1x1x40xi32, #tpu.memory_space<vmem>>
        %dma_start3A_464 = tpu.memref_squeeze %dma_start3A_463 : memref<1x1x40xi32, #tpu.memory_space<vmem>> -> memref<40xi32, #tpu.memory_space<vmem>>
        %dma_start3A_465 = arith.constant 0 : i32
        %dma_start3A_466 = arith.constant 0 : i32
        %dma_start3A_467 = tpu.memref_slice %arg2[%dma_start3A_465, %dma_start3A_466] : memref<276480x128xf32, #tpu.memory_space<hbm>> -> memref<276480x128xf32, #tpu.memory_space<hbm>>
        tpu.enqueue_indirect_dma source(%dma_start3A_467 : memref<276480x128xf32, #tpu.memory_space<hbm>>) target(%dma_start3A_461 : memref<40x128xf32, #tpu.memory_space<vmem>>) offsets(%dma_start3A_464 : memref<40xi32, #tpu.memory_space<vmem>>) semaphore(%arg7 : memref<!tpu.dma_semaphore, #tpu.memory_space<semaphore_mem>>) {add = true}
        %dma_wait3A_468 = arith.constant 0 : i32
        %dma_wait3A_469 = arith.constant 7 : i32
        %dma_wait3A_470 = arith.constant 280 : i32
        %dma_wait3A_471 = arith.constant 0 : i32
        %dma_wait3A_472 = tpu.memref_slice %arg6[%dma_wait3A_470, %dma_wait3A_471] : memref<560x128xf32, #tpu.memory_space<vmem>> -> memref<40x128xf32, #tpu.memory_space<vmem>>
        %dma_wait3A_473 = arith.constant 0 : i32
        %dma_wait3A_474 = tpu.memref_slice %arg5[%dma_wait3A_468, %dma_wait3A_469, %dma_wait3A_473] : memref<27x14x40xi32, #tpu.memory_space<vmem>> -> memref<1x1x40xi32, #tpu.memory_space<vmem>>
        %dma_wait3A_475 = tpu.memref_squeeze %dma_wait3A_474 : memref<1x1x40xi32, #tpu.memory_space<vmem>> -> memref<40xi32, #tpu.memory_space<vmem>>
        %dma_wait3A_476 = arith.constant 0 : i32
        %dma_wait3A_477 = arith.constant 0 : i32
        %dma_wait3A_478 = tpu.memref_slice %arg2[%dma_wait3A_476, %dma_wait3A_477] : memref<276480x128xf32, #tpu.memory_space<hbm>> -> memref<276480x128xf32, #tpu.memory_space<hbm>>
        tpu.wait_indirect_dma semaphore(%arg7 : memref<!tpu.dma_semaphore, #tpu.memory_space<semaphore_mem>>) src(%dma_wait3A_478 : memref<276480x128xf32, #tpu.memory_space<hbm>>) dst(%dma_wait3A_472 : memref<40x128xf32, #tpu.memory_space<vmem>>)
        %dma_start3A_479 = arith.constant 7 : i32
        %dma_start3A_480 = arith.constant 280 : i32
        %dma_start3A_481 = arith.constant 0 : i32
        %dma_start3A_482 = tpu.memref_slice %arg6[%dma_start3A_480, %dma_start3A_481] : memref<560x128xf32, #tpu.memory_space<vmem>> -> memref<40x128xf32, #tpu.memory_space<vmem>>
        %dma_start3A_483 = arith.constant 0 : i32
        %dma_start3A_484 = tpu.memref_slice %arg5[%scan3A_320, %dma_start3A_479, %dma_start3A_483] : memref<27x14x40xi32, #tpu.memory_space<vmem>> -> memref<1x1x40xi32, #tpu.memory_space<vmem>>
        %dma_start3A_485 = tpu.memref_squeeze %dma_start3A_484 : memref<1x1x40xi32, #tpu.memory_space<vmem>> -> memref<40xi32, #tpu.memory_space<vmem>>
        %dma_start3A_486 = arith.constant 0 : i32
        %dma_start3A_487 = arith.constant 0 : i32
        %dma_start3A_488 = tpu.memref_slice %arg2[%dma_start3A_486, %dma_start3A_487] : memref<276480x128xf32, #tpu.memory_space<hbm>> -> memref<276480x128xf32, #tpu.memory_space<hbm>>
        tpu.enqueue_indirect_dma source(%dma_start3A_488 : memref<276480x128xf32, #tpu.memory_space<hbm>>) target(%dma_start3A_482 : memref<40x128xf32, #tpu.memory_space<vmem>>) offsets(%dma_start3A_485 : memref<40xi32, #tpu.memory_space<vmem>>) semaphore(%arg7 : memref<!tpu.dma_semaphore, #tpu.memory_space<semaphore_mem>>) {add = true}
        %dma_wait3A_489 = arith.constant 0 : i32
        %dma_wait3A_490 = arith.constant 8 : i32
        %dma_wait3A_491 = arith.constant 320 : i32
        %dma_wait3A_492 = arith.constant 0 : i32
        %dma_wait3A_493 = tpu.memref_slice %arg6[%dma_wait3A_491, %dma_wait3A_492] : memref<560x128xf32, #tpu.memory_space<vmem>> -> memref<40x128xf32, #tpu.memory_space<vmem>>
        %dma_wait3A_494 = arith.constant 0 : i32
        %dma_wait3A_495 = tpu.memref_slice %arg5[%dma_wait3A_489, %dma_wait3A_490, %dma_wait3A_494] : memref<27x14x40xi32, #tpu.memory_space<vmem>> -> memref<1x1x40xi32, #tpu.memory_space<vmem>>
        %dma_wait3A_496 = tpu.memref_squeeze %dma_wait3A_495 : memref<1x1x40xi32, #tpu.memory_space<vmem>> -> memref<40xi32, #tpu.memory_space<vmem>>
        %dma_wait3A_497 = arith.constant 0 : i32
        %dma_wait3A_498 = arith.constant 0 : i32
        %dma_wait3A_499 = tpu.memref_slice %arg2[%dma_wait3A_497, %dma_wait3A_498] : memref<276480x128xf32, #tpu.memory_space<hbm>> -> memref<276480x128xf32, #tpu.memory_space<hbm>>
        tpu.wait_indirect_dma semaphore(%arg7 : memref<!tpu.dma_semaphore, #tpu.memory_space<semaphore_mem>>) src(%dma_wait3A_499 : memref<276480x128xf32, #tpu.memory_space<hbm>>) dst(%dma_wait3A_493 : memref<40x128xf32, #tpu.memory_space<vmem>>)
        %dma_start3A_500 = arith.constant 8 : i32
        %dma_start3A_501 = arith.constant 320 : i32
        %dma_start3A_502 = arith.constant 0 : i32
        %dma_start3A_503 = tpu.memref_slice %arg6[%dma_start3A_501, %dma_start3A_502] : memref<560x128xf32, #tpu.memory_space<vmem>> -> memref<40x128xf32, #tpu.memory_space<vmem>>
        %dma_start3A_504 = arith.constant 0 : i32
        %dma_start3A_505 = tpu.memref_slice %arg5[%scan3A_320, %dma_start3A_500, %dma_start3A_504] : memref<27x14x40xi32, #tpu.memory_space<vmem>> -> memref<1x1x40xi32, #tpu.memory_space<vmem>>
        %dma_start3A_506 = tpu.memref_squeeze %dma_start3A_505 : memref<1x1x40xi32, #tpu.memory_space<vmem>> -> memref<40xi32, #tpu.memory_space<vmem>>
        %dma_start3A_507 = arith.constant 0 : i32
        %dma_start3A_508 = arith.constant 0 : i32
        %dma_start3A_509 = tpu.memref_slice %arg2[%dma_start3A_507, %dma_start3A_508] : memref<276480x128xf32, #tpu.memory_space<hbm>> -> memref<276480x128xf32, #tpu.memory_space<hbm>>
        tpu.enqueue_indirect_dma source(%dma_start3A_509 : memref<276480x128xf32, #tpu.memory_space<hbm>>) target(%dma_start3A_503 : memref<40x128xf32, #tpu.memory_space<vmem>>) offsets(%dma_start3A_506 : memref<40xi32, #tpu.memory_space<vmem>>) semaphore(%arg7 : memref<!tpu.dma_semaphore, #tpu.memory_space<semaphore_mem>>) {add = true}
        %dma_wait3A_510 = arith.constant 0 : i32
        %dma_wait3A_511 = arith.constant 9 : i32
        %dma_wait3A_512 = arith.constant 360 : i32
        %dma_wait3A_513 = arith.constant 0 : i32
        %dma_wait3A_514 = tpu.memref_slice %arg6[%dma_wait3A_512, %dma_wait3A_513] : memref<560x128xf32, #tpu.memory_space<vmem>> -> memref<40x128xf32, #tpu.memory_space<vmem>>
        %dma_wait3A_515 = arith.constant 0 : i32
        %dma_wait3A_516 = tpu.memref_slice %arg5[%dma_wait3A_510, %dma_wait3A_511, %dma_wait3A_515] : memref<27x14x40xi32, #tpu.memory_space<vmem>> -> memref<1x1x40xi32, #tpu.memory_space<vmem>>
        %dma_wait3A_517 = tpu.memref_squeeze %dma_wait3A_516 : memref<1x1x40xi32, #tpu.memory_space<vmem>> -> memref<40xi32, #tpu.memory_space<vmem>>
        %dma_wait3A_518 = arith.constant 0 : i32
        %dma_wait3A_519 = arith.constant 0 : i32
        %dma_wait3A_520 = tpu.memref_slice %arg2[%dma_wait3A_518, %dma_wait3A_519] : memref<276480x128xf32, #tpu.memory_space<hbm>> -> memref<276480x128xf32, #tpu.memory_space<hbm>>
        tpu.wait_indirect_dma semaphore(%arg7 : memref<!tpu.dma_semaphore, #tpu.memory_space<semaphore_mem>>) src(%dma_wait3A_520 : memref<276480x128xf32, #tpu.memory_space<hbm>>) dst(%dma_wait3A_514 : memref<40x128xf32, #tpu.memory_space<vmem>>)
        %dma_start3A_521 = arith.constant 9 : i32
        %dma_start3A_522 = arith.constant 360 : i32
        %dma_start3A_523 = arith.constant 0 : i32
        %dma_start3A_524 = tpu.memref_slice %arg6[%dma_start3A_522, %dma_start3A_523] : memref<560x128xf32, #tpu.memory_space<vmem>> -> memref<40x128xf32, #tpu.memory_space<vmem>>
        %dma_start3A_525 = arith.constant 0 : i32
        %dma_start3A_526 = tpu.memref_slice %arg5[%scan3A_320, %dma_start3A_521, %dma_start3A_525] : memref<27x14x40xi32, #tpu.memory_space<vmem>> -> memref<1x1x40xi32, #tpu.memory_space<vmem>>
        %dma_start3A_527 = tpu.memref_squeeze %dma_start3A_526 : memref<1x1x40xi32, #tpu.memory_space<vmem>> -> memref<40xi32, #tpu.memory_space<vmem>>
        %dma_start3A_528 = arith.constant 0 : i32
        %dma_start3A_529 = arith.constant 0 : i32
        %dma_start3A_530 = tpu.memref_slice %arg2[%dma_start3A_528, %dma_start3A_529] : memref<276480x128xf32, #tpu.memory_space<hbm>> -> memref<276480x128xf32, #tpu.memory_space<hbm>>
        tpu.enqueue_indirect_dma source(%dma_start3A_530 : memref<276480x128xf32, #tpu.memory_space<hbm>>) target(%dma_start3A_524 : memref<40x128xf32, #tpu.memory_space<vmem>>) offsets(%dma_start3A_527 : memref<40xi32, #tpu.memory_space<vmem>>) semaphore(%arg7 : memref<!tpu.dma_semaphore, #tpu.memory_space<semaphore_mem>>) {add = true}
        %dma_wait3A_531 = arith.constant 0 : i32
        %dma_wait3A_532 = arith.constant 10 : i32
        %dma_wait3A_533 = arith.constant 400 : i32
        %dma_wait3A_534 = arith.constant 0 : i32
        %dma_wait3A_535 = tpu.memref_slice %arg6[%dma_wait3A_533, %dma_wait3A_534] : memref<560x128xf32, #tpu.memory_space<vmem>> -> memref<40x128xf32, #tpu.memory_space<vmem>>
        %dma_wait3A_536 = arith.constant 0 : i32
        %dma_wait3A_537 = tpu.memref_slice %arg5[%dma_wait3A_531, %dma_wait3A_532, %dma_wait3A_536] : memref<27x14x40xi32, #tpu.memory_space<vmem>> -> memref<1x1x40xi32, #tpu.memory_space<vmem>>
        %dma_wait3A_538 = tpu.memref_squeeze %dma_wait3A_537 : memref<1x1x40xi32, #tpu.memory_space<vmem>> -> memref<40xi32, #tpu.memory_space<vmem>>
        %dma_wait3A_539 = arith.constant 0 : i32
        %dma_wait3A_540 = arith.constant 0 : i32
        %dma_wait3A_541 = tpu.memref_slice %arg2[%dma_wait3A_539, %dma_wait3A_540] : memref<276480x128xf32, #tpu.memory_space<hbm>> -> memref<276480x128xf32, #tpu.memory_space<hbm>>
        tpu.wait_indirect_dma semaphore(%arg7 : memref<!tpu.dma_semaphore, #tpu.memory_space<semaphore_mem>>) src(%dma_wait3A_541 : memref<276480x128xf32, #tpu.memory_space<hbm>>) dst(%dma_wait3A_535 : memref<40x128xf32, #tpu.memory_space<vmem>>)
        %dma_start3A_542 = arith.constant 10 : i32
        %dma_start3A_543 = arith.constant 400 : i32
        %dma_start3A_544 = arith.constant 0 : i32
        %dma_start3A_545 = tpu.memref_slice %arg6[%dma_start3A_543, %dma_start3A_544] : memref<560x128xf32, #tpu.memory_space<vmem>> -> memref<40x128xf32, #tpu.memory_space<vmem>>
        %dma_start3A_546 = arith.constant 0 : i32
        %dma_start3A_547 = tpu.memref_slice %arg5[%scan3A_320, %dma_start3A_542, %dma_start3A_546] : memref<27x14x40xi32, #tpu.memory_space<vmem>> -> memref<1x1x40xi32, #tpu.memory_space<vmem>>
        %dma_start3A_548 = tpu.memref_squeeze %dma_start3A_547 : memref<1x1x40xi32, #tpu.memory_space<vmem>> -> memref<40xi32, #tpu.memory_space<vmem>>
        %dma_start3A_549 = arith.constant 0 : i32
        %dma_start3A_550 = arith.constant 0 : i32
        %dma_start3A_551 = tpu.memref_slice %arg2[%dma_start3A_549, %dma_start3A_550] : memref<276480x128xf32, #tpu.memory_space<hbm>> -> memref<276480x128xf32, #tpu.memory_space<hbm>>
        tpu.enqueue_indirect_dma source(%dma_start3A_551 : memref<276480x128xf32, #tpu.memory_space<hbm>>) target(%dma_start3A_545 : memref<40x128xf32, #tpu.memory_space<vmem>>) offsets(%dma_start3A_548 : memref<40xi32, #tpu.memory_space<vmem>>) semaphore(%arg7 : memref<!tpu.dma_semaphore, #tpu.memory_space<semaphore_mem>>) {add = true}
        %dma_wait3A_552 = arith.constant 0 : i32
        %dma_wait3A_553 = arith.constant 11 : i32
        %dma_wait3A_554 = arith.constant 440 : i32
        %dma_wait3A_555 = arith.constant 0 : i32
        %dma_wait3A_556 = tpu.memref_slice %arg6[%dma_wait3A_554, %dma_wait3A_555] : memref<560x128xf32, #tpu.memory_space<vmem>> -> memref<40x128xf32, #tpu.memory_space<vmem>>
        %dma_wait3A_557 = arith.constant 0 : i32
        %dma_wait3A_558 = tpu.memref_slice %arg5[%dma_wait3A_552, %dma_wait3A_553, %dma_wait3A_557] : memref<27x14x40xi32, #tpu.memory_space<vmem>> -> memref<1x1x40xi32, #tpu.memory_space<vmem>>
        %dma_wait3A_559 = tpu.memref_squeeze %dma_wait3A_558 : memref<1x1x40xi32, #tpu.memory_space<vmem>> -> memref<40xi32, #tpu.memory_space<vmem>>
        %dma_wait3A_560 = arith.constant 0 : i32
        %dma_wait3A_561 = arith.constant 0 : i32
        %dma_wait3A_562 = tpu.memref_slice %arg2[%dma_wait3A_560, %dma_wait3A_561] : memref<276480x128xf32, #tpu.memory_space<hbm>> -> memref<276480x128xf32, #tpu.memory_space<hbm>>
        tpu.wait_indirect_dma semaphore(%arg7 : memref<!tpu.dma_semaphore, #tpu.memory_space<semaphore_mem>>) src(%dma_wait3A_562 : memref<276480x128xf32, #tpu.memory_space<hbm>>) dst(%dma_wait3A_556 : memref<40x128xf32, #tpu.memory_space<vmem>>)
        %dma_start3A_563 = arith.constant 11 : i32
        %dma_start3A_564 = arith.constant 440 : i32
        %dma_start3A_565 = arith.constant 0 : i32
        %dma_start3A_566 = tpu.memref_slice %arg6[%dma_start3A_564, %dma_start3A_565] : memref<560x128xf32, #tpu.memory_space<vmem>> -> memref<40x128xf32, #tpu.memory_space<vmem>>
        %dma_start3A_567 = arith.constant 0 : i32
        %dma_start3A_568 = tpu.memref_slice %arg5[%scan3A_320, %dma_start3A_563, %dma_start3A_567] : memref<27x14x40xi32, #tpu.memory_space<vmem>> -> memref<1x1x40xi32, #tpu.memory_space<vmem>>
        %dma_start3A_569 = tpu.memref_squeeze %dma_start3A_568 : memref<1x1x40xi32, #tpu.memory_space<vmem>> -> memref<40xi32, #tpu.memory_space<vmem>>
        %dma_start3A_570 = arith.constant 0 : i32
        %dma_start3A_571 = arith.constant 0 : i32
        %dma_start3A_572 = tpu.memref_slice %arg2[%dma_start3A_570, %dma_start3A_571] : memref<276480x128xf32, #tpu.memory_space<hbm>> -> memref<276480x128xf32, #tpu.memory_space<hbm>>
        tpu.enqueue_indirect_dma source(%dma_start3A_572 : memref<276480x128xf32, #tpu.memory_space<hbm>>) target(%dma_start3A_566 : memref<40x128xf32, #tpu.memory_space<vmem>>) offsets(%dma_start3A_569 : memref<40xi32, #tpu.memory_space<vmem>>) semaphore(%arg7 : memref<!tpu.dma_semaphore, #tpu.memory_space<semaphore_mem>>) {add = true}
        %dma_wait3A_573 = arith.constant 0 : i32
        %dma_wait3A_574 = arith.constant 12 : i32
        %dma_wait3A_575 = arith.constant 480 : i32
        %dma_wait3A_576 = arith.constant 0 : i32
        %dma_wait3A_577 = tpu.memref_slice %arg6[%dma_wait3A_575, %dma_wait3A_576] : memref<560x128xf32, #tpu.memory_space<vmem>> -> memref<40x128xf32, #tpu.memory_space<vmem>>
        %dma_wait3A_578 = arith.constant 0 : i32
        %dma_wait3A_579 = tpu.memref_slice %arg5[%dma_wait3A_573, %dma_wait3A_574, %dma_wait3A_578] : memref<27x14x40xi32, #tpu.memory_space<vmem>> -> memref<1x1x40xi32, #tpu.memory_space<vmem>>
        %dma_wait3A_580 = tpu.memref_squeeze %dma_wait3A_579 : memref<1x1x40xi32, #tpu.memory_space<vmem>> -> memref<40xi32, #tpu.memory_space<vmem>>
        %dma_wait3A_581 = arith.constant 0 : i32
        %dma_wait3A_582 = arith.constant 0 : i32
        %dma_wait3A_583 = tpu.memref_slice %arg2[%dma_wait3A_581, %dma_wait3A_582] : memref<276480x128xf32, #tpu.memory_space<hbm>> -> memref<276480x128xf32, #tpu.memory_space<hbm>>
        tpu.wait_indirect_dma semaphore(%arg7 : memref<!tpu.dma_semaphore, #tpu.memory_space<semaphore_mem>>) src(%dma_wait3A_583 : memref<276480x128xf32, #tpu.memory_space<hbm>>) dst(%dma_wait3A_577 : memref<40x128xf32, #tpu.memory_space<vmem>>)
        %dma_start3A_584 = arith.constant 12 : i32
        %dma_start3A_585 = arith.constant 480 : i32
        %dma_start3A_586 = arith.constant 0 : i32
        %dma_start3A_587 = tpu.memref_slice %arg6[%dma_start3A_585, %dma_start3A_586] : memref<560x128xf32, #tpu.memory_space<vmem>> -> memref<40x128xf32, #tpu.memory_space<vmem>>
        %dma_start3A_588 = arith.constant 0 : i32
        %dma_start3A_589 = tpu.memref_slice %arg5[%scan3A_320, %dma_start3A_584, %dma_start3A_588] : memref<27x14x40xi32, #tpu.memory_space<vmem>> -> memref<1x1x40xi32, #tpu.memory_space<vmem>>
        %dma_start3A_590 = tpu.memref_squeeze %dma_start3A_589 : memref<1x1x40xi32, #tpu.memory_space<vmem>> -> memref<40xi32, #tpu.memory_space<vmem>>
        %dma_start3A_591 = arith.constant 0 : i32
        %dma_start3A_592 = arith.constant 0 : i32
        %dma_start3A_593 = tpu.memref_slice %arg2[%dma_start3A_591, %dma_start3A_592] : memref<276480x128xf32, #tpu.memory_space<hbm>> -> memref<276480x128xf32, #tpu.memory_space<hbm>>
        tpu.enqueue_indirect_dma source(%dma_start3A_593 : memref<276480x128xf32, #tpu.memory_space<hbm>>) target(%dma_start3A_587 : memref<40x128xf32, #tpu.memory_space<vmem>>) offsets(%dma_start3A_590 : memref<40xi32, #tpu.memory_space<vmem>>) semaphore(%arg7 : memref<!tpu.dma_semaphore, #tpu.memory_space<semaphore_mem>>) {add = true}
        %dma_wait3A_594 = arith.constant 0 : i32
        %dma_wait3A_595 = arith.constant 13 : i32
        %dma_wait3A_596 = arith.constant 520 : i32
        %dma_wait3A_597 = arith.constant 0 : i32
        %dma_wait3A_598 = tpu.memref_slice %arg6[%dma_wait3A_596, %dma_wait3A_597] : memref<560x128xf32, #tpu.memory_space<vmem>> -> memref<40x128xf32, #tpu.memory_space<vmem>>
        %dma_wait3A_599 = arith.constant 0 : i32
        %dma_wait3A_600 = tpu.memref_slice %arg5[%dma_wait3A_594, %dma_wait3A_595, %dma_wait3A_599] : memref<27x14x40xi32, #tpu.memory_space<vmem>> -> memref<1x1x40xi32, #tpu.memory_space<vmem>>
        %dma_wait3A_601 = tpu.memref_squeeze %dma_wait3A_600 : memref<1x1x40xi32, #tpu.memory_space<vmem>> -> memref<40xi32, #tpu.memory_space<vmem>>
        %dma_wait3A_602 = arith.constant 0 : i32
        %dma_wait3A_603 = arith.constant 0 : i32
        %dma_wait3A_604 = tpu.memref_slice %arg2[%dma_wait3A_602, %dma_wait3A_603] : memref<276480x128xf32, #tpu.memory_space<hbm>> -> memref<276480x128xf32, #tpu.memory_space<hbm>>
        tpu.wait_indirect_dma semaphore(%arg7 : memref<!tpu.dma_semaphore, #tpu.memory_space<semaphore_mem>>) src(%dma_wait3A_604 : memref<276480x128xf32, #tpu.memory_space<hbm>>) dst(%dma_wait3A_598 : memref<40x128xf32, #tpu.memory_space<vmem>>)
        %dma_start3A_605 = arith.constant 13 : i32
        %dma_start3A_606 = arith.constant 520 : i32
        %dma_start3A_607 = arith.constant 0 : i32
        %dma_start3A_608 = tpu.memref_slice %arg6[%dma_start3A_606, %dma_start3A_607] : memref<560x128xf32, #tpu.memory_space<vmem>> -> memref<40x128xf32, #tpu.memory_space<vmem>>
        %dma_start3A_609 = arith.constant 0 : i32
        %dma_start3A_610 = tpu.memref_slice %arg5[%scan3A_320, %dma_start3A_605, %dma_start3A_609] : memref<27x14x40xi32, #tpu.memory_space<vmem>> -> memref<1x1x40xi32, #tpu.memory_space<vmem>>
        %dma_start3A_611 = tpu.memref_squeeze %dma_start3A_610 : memref<1x1x40xi32, #tpu.memory_space<vmem>> -> memref<40xi32, #tpu.memory_space<vmem>>
        %dma_start3A_612 = arith.constant 0 : i32
        %dma_start3A_613 = arith.constant 0 : i32
        %dma_start3A_614 = tpu.memref_slice %arg2[%dma_start3A_612, %dma_start3A_613] : memref<276480x128xf32, #tpu.memory_space<hbm>> -> memref<276480x128xf32, #tpu.memory_space<hbm>>
        tpu.enqueue_indirect_dma source(%dma_start3A_614 : memref<276480x128xf32, #tpu.memory_space<hbm>>) target(%dma_start3A_608 : memref<40x128xf32, #tpu.memory_space<vmem>>) offsets(%dma_start3A_611 : memref<40xi32, #tpu.memory_space<vmem>>) semaphore(%arg7 : memref<!tpu.dma_semaphore, #tpu.memory_space<semaphore_mem>>) {add = true}
      }
      %scan3A_166 = arith.constant 26 : i32
      %dma_wait3A = arith.constant 0 : i32
      %dma_wait3A_167 = arith.constant 0 : i32
      %dma_wait3A_168 = arith.constant 0 : i32
      %dma_wait3A_169 = arith.constant 0 : i32
      %dma_wait3A_170 = tpu.memref_slice %arg6[%dma_wait3A_168, %dma_wait3A_169] : memref<560x128xf32, #tpu.memory_space<vmem>> -> memref<40x128xf32, #tpu.memory_space<vmem>>
      %dma_wait3A_171 = arith.constant 0 : i32
      %dma_wait3A_172 = tpu.memref_slice %arg5[%dma_wait3A, %dma_wait3A_167, %dma_wait3A_171] : memref<27x14x40xi32, #tpu.memory_space<vmem>> -> memref<1x1x40xi32, #tpu.memory_space<vmem>>
      %dma_wait3A_173 = tpu.memref_squeeze %dma_wait3A_172 : memref<1x1x40xi32, #tpu.memory_space<vmem>> -> memref<40xi32, #tpu.memory_space<vmem>>
      %dma_wait3A_174 = arith.constant 0 : i32
      %dma_wait3A_175 = arith.constant 0 : i32
      %dma_wait3A_176 = tpu.memref_slice %arg2[%dma_wait3A_174, %dma_wait3A_175] : memref<276480x128xf32, #tpu.memory_space<hbm>> -> memref<276480x128xf32, #tpu.memory_space<hbm>>
      tpu.wait_indirect_dma semaphore(%arg7 : memref<!tpu.dma_semaphore, #tpu.memory_space<semaphore_mem>>) src(%dma_wait3A_176 : memref<276480x128xf32, #tpu.memory_space<hbm>>) dst(%dma_wait3A_170 : memref<40x128xf32, #tpu.memory_space<vmem>>)
      %dma_wait3A_177 = arith.constant 0 : i32
      %dma_wait3A_178 = arith.constant 1 : i32
      %dma_wait3A_179 = arith.constant 40 : i32
      %dma_wait3A_180 = arith.constant 0 : i32
      %dma_wait3A_181 = tpu.memref_slice %arg6[%dma_wait3A_179, %dma_wait3A_180] : memref<560x128xf32, #tpu.memory_space<vmem>> -> memref<40x128xf32, #tpu.memory_space<vmem>>
      %dma_wait3A_182 = arith.constant 0 : i32
      %dma_wait3A_183 = tpu.memref_slice %arg5[%dma_wait3A_177, %dma_wait3A_178, %dma_wait3A_182] : memref<27x14x40xi32, #tpu.memory_space<vmem>> -> memref<1x1x40xi32, #tpu.memory_space<vmem>>
      %dma_wait3A_184 = tpu.memref_squeeze %dma_wait3A_183 : memref<1x1x40xi32, #tpu.memory_space<vmem>> -> memref<40xi32, #tpu.memory_space<vmem>>
      %dma_wait3A_185 = arith.constant 0 : i32
      %dma_wait3A_186 = arith.constant 0 : i32
      %dma_wait3A_187 = tpu.memref_slice %arg2[%dma_wait3A_185, %dma_wait3A_186] : memref<276480x128xf32, #tpu.memory_space<hbm>> -> memref<276480x128xf32, #tpu.memory_space<hbm>>
      tpu.wait_indirect_dma semaphore(%arg7 : memref<!tpu.dma_semaphore, #tpu.memory_space<semaphore_mem>>) src(%dma_wait3A_187 : memref<276480x128xf32, #tpu.memory_space<hbm>>) dst(%dma_wait3A_181 : memref<40x128xf32, #tpu.memory_space<vmem>>)
      %dma_wait3A_188 = arith.constant 0 : i32
      %dma_wait3A_189 = arith.constant 2 : i32
      %dma_wait3A_190 = arith.constant 80 : i32
      %dma_wait3A_191 = arith.constant 0 : i32
      %dma_wait3A_192 = tpu.memref_slice %arg6[%dma_wait3A_190, %dma_wait3A_191] : memref<560x128xf32, #tpu.memory_space<vmem>> -> memref<40x128xf32, #tpu.memory_space<vmem>>
      %dma_wait3A_193 = arith.constant 0 : i32
      %dma_wait3A_194 = tpu.memref_slice %arg5[%dma_wait3A_188, %dma_wait3A_189, %dma_wait3A_193] : memref<27x14x40xi32, #tpu.memory_space<vmem>> -> memref<1x1x40xi32, #tpu.memory_space<vmem>>
      %dma_wait3A_195 = tpu.memref_squeeze %dma_wait3A_194 : memref<1x1x40xi32, #tpu.memory_space<vmem>> -> memref<40xi32, #tpu.memory_space<vmem>>
      %dma_wait3A_196 = arith.constant 0 : i32
      %dma_wait3A_197 = arith.constant 0 : i32
      %dma_wait3A_198 = tpu.memref_slice %arg2[%dma_wait3A_196, %dma_wait3A_197] : memref<276480x128xf32, #tpu.memory_space<hbm>> -> memref<276480x128xf32, #tpu.memory_space<hbm>>
      tpu.wait_indirect_dma semaphore(%arg7 : memref<!tpu.dma_semaphore, #tpu.memory_space<semaphore_mem>>) src(%dma_wait3A_198 : memref<276480x128xf32, #tpu.memory_space<hbm>>) dst(%dma_wait3A_192 : memref<40x128xf32, #tpu.memory_space<vmem>>)
      %dma_wait3A_199 = arith.constant 0 : i32
      %dma_wait3A_200 = arith.constant 3 : i32
      %dma_wait3A_201 = arith.constant 120 : i32
      %dma_wait3A_202 = arith.constant 0 : i32
      %dma_wait3A_203 = tpu.memref_slice %arg6[%dma_wait3A_201, %dma_wait3A_202] : memref<560x128xf32, #tpu.memory_space<vmem>> -> memref<40x128xf32, #tpu.memory_space<vmem>>
      %dma_wait3A_204 = arith.constant 0 : i32
      %dma_wait3A_205 = tpu.memref_slice %arg5[%dma_wait3A_199, %dma_wait3A_200, %dma_wait3A_204] : memref<27x14x40xi32, #tpu.memory_space<vmem>> -> memref<1x1x40xi32, #tpu.memory_space<vmem>>
      %dma_wait3A_206 = tpu.memref_squeeze %dma_wait3A_205 : memref<1x1x40xi32, #tpu.memory_space<vmem>> -> memref<40xi32, #tpu.memory_space<vmem>>
      %dma_wait3A_207 = arith.constant 0 : i32
      %dma_wait3A_208 = arith.constant 0 : i32
      %dma_wait3A_209 = tpu.memref_slice %arg2[%dma_wait3A_207, %dma_wait3A_208] : memref<276480x128xf32, #tpu.memory_space<hbm>> -> memref<276480x128xf32, #tpu.memory_space<hbm>>
      tpu.wait_indirect_dma semaphore(%arg7 : memref<!tpu.dma_semaphore, #tpu.memory_space<semaphore_mem>>) src(%dma_wait3A_209 : memref<276480x128xf32, #tpu.memory_space<hbm>>) dst(%dma_wait3A_203 : memref<40x128xf32, #tpu.memory_space<vmem>>)
      %dma_wait3A_210 = arith.constant 0 : i32
      %dma_wait3A_211 = arith.constant 4 : i32
      %dma_wait3A_212 = arith.constant 160 : i32
      %dma_wait3A_213 = arith.constant 0 : i32
      %dma_wait3A_214 = tpu.memref_slice %arg6[%dma_wait3A_212, %dma_wait3A_213] : memref<560x128xf32, #tpu.memory_space<vmem>> -> memref<40x128xf32, #tpu.memory_space<vmem>>
      %dma_wait3A_215 = arith.constant 0 : i32
      %dma_wait3A_216 = tpu.memref_slice %arg5[%dma_wait3A_210, %dma_wait3A_211, %dma_wait3A_215] : memref<27x14x40xi32, #tpu.memory_space<vmem>> -> memref<1x1x40xi32, #tpu.memory_space<vmem>>
      %dma_wait3A_217 = tpu.memref_squeeze %dma_wait3A_216 : memref<1x1x40xi32, #tpu.memory_space<vmem>> -> memref<40xi32, #tpu.memory_space<vmem>>
      %dma_wait3A_218 = arith.constant 0 : i32
      %dma_wait3A_219 = arith.constant 0 : i32
      %dma_wait3A_220 = tpu.memref_slice %arg2[%dma_wait3A_218, %dma_wait3A_219] : memref<276480x128xf32, #tpu.memory_space<hbm>> -> memref<276480x128xf32, #tpu.memory_space<hbm>>
      tpu.wait_indirect_dma semaphore(%arg7 : memref<!tpu.dma_semaphore, #tpu.memory_space<semaphore_mem>>) src(%dma_wait3A_220 : memref<276480x128xf32, #tpu.memory_space<hbm>>) dst(%dma_wait3A_214 : memref<40x128xf32, #tpu.memory_space<vmem>>)
      %dma_wait3A_221 = arith.constant 0 : i32
      %dma_wait3A_222 = arith.constant 5 : i32
      %dma_wait3A_223 = arith.constant 200 : i32
      %dma_wait3A_224 = arith.constant 0 : i32
      %dma_wait3A_225 = tpu.memref_slice %arg6[%dma_wait3A_223, %dma_wait3A_224] : memref<560x128xf32, #tpu.memory_space<vmem>> -> memref<40x128xf32, #tpu.memory_space<vmem>>
      %dma_wait3A_226 = arith.constant 0 : i32
      %dma_wait3A_227 = tpu.memref_slice %arg5[%dma_wait3A_221, %dma_wait3A_222, %dma_wait3A_226] : memref<27x14x40xi32, #tpu.memory_space<vmem>> -> memref<1x1x40xi32, #tpu.memory_space<vmem>>
      %dma_wait3A_228 = tpu.memref_squeeze %dma_wait3A_227 : memref<1x1x40xi32, #tpu.memory_space<vmem>> -> memref<40xi32, #tpu.memory_space<vmem>>
      %dma_wait3A_229 = arith.constant 0 : i32
      %dma_wait3A_230 = arith.constant 0 : i32
      %dma_wait3A_231 = tpu.memref_slice %arg2[%dma_wait3A_229, %dma_wait3A_230] : memref<276480x128xf32, #tpu.memory_space<hbm>> -> memref<276480x128xf32, #tpu.memory_space<hbm>>
      tpu.wait_indirect_dma semaphore(%arg7 : memref<!tpu.dma_semaphore, #tpu.memory_space<semaphore_mem>>) src(%dma_wait3A_231 : memref<276480x128xf32, #tpu.memory_space<hbm>>) dst(%dma_wait3A_225 : memref<40x128xf32, #tpu.memory_space<vmem>>)
      %dma_wait3A_232 = arith.constant 0 : i32
      %dma_wait3A_233 = arith.constant 6 : i32
      %dma_wait3A_234 = arith.constant 240 : i32
      %dma_wait3A_235 = arith.constant 0 : i32
      %dma_wait3A_236 = tpu.memref_slice %arg6[%dma_wait3A_234, %dma_wait3A_235] : memref<560x128xf32, #tpu.memory_space<vmem>> -> memref<40x128xf32, #tpu.memory_space<vmem>>
      %dma_wait3A_237 = arith.constant 0 : i32
      %dma_wait3A_238 = tpu.memref_slice %arg5[%dma_wait3A_232, %dma_wait3A_233, %dma_wait3A_237] : memref<27x14x40xi32, #tpu.memory_space<vmem>> -> memref<1x1x40xi32, #tpu.memory_space<vmem>>
      %dma_wait3A_239 = tpu.memref_squeeze %dma_wait3A_238 : memref<1x1x40xi32, #tpu.memory_space<vmem>> -> memref<40xi32, #tpu.memory_space<vmem>>
      %dma_wait3A_240 = arith.constant 0 : i32
      %dma_wait3A_241 = arith.constant 0 : i32
      %dma_wait3A_242 = tpu.memref_slice %arg2[%dma_wait3A_240, %dma_wait3A_241] : memref<276480x128xf32, #tpu.memory_space<hbm>> -> memref<276480x128xf32, #tpu.memory_space<hbm>>
      tpu.wait_indirect_dma semaphore(%arg7 : memref<!tpu.dma_semaphore, #tpu.memory_space<semaphore_mem>>) src(%dma_wait3A_242 : memref<276480x128xf32, #tpu.memory_space<hbm>>) dst(%dma_wait3A_236 : memref<40x128xf32, #tpu.memory_space<vmem>>)
      %dma_wait3A_243 = arith.constant 0 : i32
      %dma_wait3A_244 = arith.constant 7 : i32
      %dma_wait3A_245 = arith.constant 280 : i32
      %dma_wait3A_246 = arith.constant 0 : i32
      %dma_wait3A_247 = tpu.memref_slice %arg6[%dma_wait3A_245, %dma_wait3A_246] : memref<560x128xf32, #tpu.memory_space<vmem>> -> memref<40x128xf32, #tpu.memory_space<vmem>>
      %dma_wait3A_248 = arith.constant 0 : i32
      %dma_wait3A_249 = tpu.memref_slice %arg5[%dma_wait3A_243, %dma_wait3A_244, %dma_wait3A_248] : memref<27x14x40xi32, #tpu.memory_space<vmem>> -> memref<1x1x40xi32, #tpu.memory_space<vmem>>
      %dma_wait3A_250 = tpu.memref_squeeze %dma_wait3A_249 : memref<1x1x40xi32, #tpu.memory_space<vmem>> -> memref<40xi32, #tpu.memory_space<vmem>>
      %dma_wait3A_251 = arith.constant 0 : i32
      %dma_wait3A_252 = arith.constant 0 : i32
      %dma_wait3A_253 = tpu.memref_slice %arg2[%dma_wait3A_251, %dma_wait3A_252] : memref<276480x128xf32, #tpu.memory_space<hbm>> -> memref<276480x128xf32, #tpu.memory_space<hbm>>
      tpu.wait_indirect_dma semaphore(%arg7 : memref<!tpu.dma_semaphore, #tpu.memory_space<semaphore_mem>>) src(%dma_wait3A_253 : memref<276480x128xf32, #tpu.memory_space<hbm>>) dst(%dma_wait3A_247 : memref<40x128xf32, #tpu.memory_space<vmem>>)
      %dma_wait3A_254 = arith.constant 0 : i32
      %dma_wait3A_255 = arith.constant 8 : i32
      %dma_wait3A_256 = arith.constant 320 : i32
      %dma_wait3A_257 = arith.constant 0 : i32
      %dma_wait3A_258 = tpu.memref_slice %arg6[%dma_wait3A_256, %dma_wait3A_257] : memref<560x128xf32, #tpu.memory_space<vmem>> -> memref<40x128xf32, #tpu.memory_space<vmem>>
      %dma_wait3A_259 = arith.constant 0 : i32
      %dma_wait3A_260 = tpu.memref_slice %arg5[%dma_wait3A_254, %dma_wait3A_255, %dma_wait3A_259] : memref<27x14x40xi32, #tpu.memory_space<vmem>> -> memref<1x1x40xi32, #tpu.memory_space<vmem>>
      %dma_wait3A_261 = tpu.memref_squeeze %dma_wait3A_260 : memref<1x1x40xi32, #tpu.memory_space<vmem>> -> memref<40xi32, #tpu.memory_space<vmem>>
      %dma_wait3A_262 = arith.constant 0 : i32
      %dma_wait3A_263 = arith.constant 0 : i32
      %dma_wait3A_264 = tpu.memref_slice %arg2[%dma_wait3A_262, %dma_wait3A_263] : memref<276480x128xf32, #tpu.memory_space<hbm>> -> memref<276480x128xf32, #tpu.memory_space<hbm>>
      tpu.wait_indirect_dma semaphore(%arg7 : memref<!tpu.dma_semaphore, #tpu.memory_space<semaphore_mem>>) src(%dma_wait3A_264 : memref<276480x128xf32, #tpu.memory_space<hbm>>) dst(%dma_wait3A_258 : memref<40x128xf32, #tpu.memory_space<vmem>>)
      %dma_wait3A_265 = arith.constant 0 : i32
      %dma_wait3A_266 = arith.constant 9 : i32
      %dma_wait3A_267 = arith.constant 360 : i32
      %dma_wait3A_268 = arith.constant 0 : i32
      %dma_wait3A_269 = tpu.memref_slice %arg6[%dma_wait3A_267, %dma_wait3A_268] : memref<560x128xf32, #tpu.memory_space<vmem>> -> memref<40x128xf32, #tpu.memory_space<vmem>>
      %dma_wait3A_270 = arith.constant 0 : i32
      %dma_wait3A_271 = tpu.memref_slice %arg5[%dma_wait3A_265, %dma_wait3A_266, %dma_wait3A_270] : memref<27x14x40xi32, #tpu.memory_space<vmem>> -> memref<1x1x40xi32, #tpu.memory_space<vmem>>
      %dma_wait3A_272 = tpu.memref_squeeze %dma_wait3A_271 : memref<1x1x40xi32, #tpu.memory_space<vmem>> -> memref<40xi32, #tpu.memory_space<vmem>>
      %dma_wait3A_273 = arith.constant 0 : i32
      %dma_wait3A_274 = arith.constant 0 : i32
      %dma_wait3A_275 = tpu.memref_slice %arg2[%dma_wait3A_273, %dma_wait3A_274] : memref<276480x128xf32, #tpu.memory_space<hbm>> -> memref<276480x128xf32, #tpu.memory_space<hbm>>
      tpu.wait_indirect_dma semaphore(%arg7 : memref<!tpu.dma_semaphore, #tpu.memory_space<semaphore_mem>>) src(%dma_wait3A_275 : memref<276480x128xf32, #tpu.memory_space<hbm>>) dst(%dma_wait3A_269 : memref<40x128xf32, #tpu.memory_space<vmem>>)
      %dma_wait3A_276 = arith.constant 0 : i32
      %dma_wait3A_277 = arith.constant 10 : i32
      %dma_wait3A_278 = arith.constant 400 : i32
      %dma_wait3A_279 = arith.constant 0 : i32
      %dma_wait3A_280 = tpu.memref_slice %arg6[%dma_wait3A_278, %dma_wait3A_279] : memref<560x128xf32, #tpu.memory_space<vmem>> -> memref<40x128xf32, #tpu.memory_space<vmem>>
      %dma_wait3A_281 = arith.constant 0 : i32
      %dma_wait3A_282 = tpu.memref_slice %arg5[%dma_wait3A_276, %dma_wait3A_277, %dma_wait3A_281] : memref<27x14x40xi32, #tpu.memory_space<vmem>> -> memref<1x1x40xi32, #tpu.memory_space<vmem>>
      %dma_wait3A_283 = tpu.memref_squeeze %dma_wait3A_282 : memref<1x1x40xi32, #tpu.memory_space<vmem>> -> memref<40xi32, #tpu.memory_space<vmem>>
      %dma_wait3A_284 = arith.constant 0 : i32
      %dma_wait3A_285 = arith.constant 0 : i32
      %dma_wait3A_286 = tpu.memref_slice %arg2[%dma_wait3A_284, %dma_wait3A_285] : memref<276480x128xf32, #tpu.memory_space<hbm>> -> memref<276480x128xf32, #tpu.memory_space<hbm>>
      tpu.wait_indirect_dma semaphore(%arg7 : memref<!tpu.dma_semaphore, #tpu.memory_space<semaphore_mem>>) src(%dma_wait3A_286 : memref<276480x128xf32, #tpu.memory_space<hbm>>) dst(%dma_wait3A_280 : memref<40x128xf32, #tpu.memory_space<vmem>>)
      %dma_wait3A_287 = arith.constant 0 : i32
      %dma_wait3A_288 = arith.constant 11 : i32
      %dma_wait3A_289 = arith.constant 440 : i32
      %dma_wait3A_290 = arith.constant 0 : i32
      %dma_wait3A_291 = tpu.memref_slice %arg6[%dma_wait3A_289, %dma_wait3A_290] : memref<560x128xf32, #tpu.memory_space<vmem>> -> memref<40x128xf32, #tpu.memory_space<vmem>>
      %dma_wait3A_292 = arith.constant 0 : i32
      %dma_wait3A_293 = tpu.memref_slice %arg5[%dma_wait3A_287, %dma_wait3A_288, %dma_wait3A_292] : memref<27x14x40xi32, #tpu.memory_space<vmem>> -> memref<1x1x40xi32, #tpu.memory_space<vmem>>
      %dma_wait3A_294 = tpu.memref_squeeze %dma_wait3A_293 : memref<1x1x40xi32, #tpu.memory_space<vmem>> -> memref<40xi32, #tpu.memory_space<vmem>>
      %dma_wait3A_295 = arith.constant 0 : i32
      %dma_wait3A_296 = arith.constant 0 : i32
      %dma_wait3A_297 = tpu.memref_slice %arg2[%dma_wait3A_295, %dma_wait3A_296] : memref<276480x128xf32, #tpu.memory_space<hbm>> -> memref<276480x128xf32, #tpu.memory_space<hbm>>
      tpu.wait_indirect_dma semaphore(%arg7 : memref<!tpu.dma_semaphore, #tpu.memory_space<semaphore_mem>>) src(%dma_wait3A_297 : memref<276480x128xf32, #tpu.memory_space<hbm>>) dst(%dma_wait3A_291 : memref<40x128xf32, #tpu.memory_space<vmem>>)
      %dma_wait3A_298 = arith.constant 0 : i32
      %dma_wait3A_299 = arith.constant 12 : i32
      %dma_wait3A_300 = arith.constant 480 : i32
      %dma_wait3A_301 = arith.constant 0 : i32
      %dma_wait3A_302 = tpu.memref_slice %arg6[%dma_wait3A_300, %dma_wait3A_301] : memref<560x128xf32, #tpu.memory_space<vmem>> -> memref<40x128xf32, #tpu.memory_space<vmem>>
      %dma_wait3A_303 = arith.constant 0 : i32
      %dma_wait3A_304 = tpu.memref_slice %arg5[%dma_wait3A_298, %dma_wait3A_299, %dma_wait3A_303] : memref<27x14x40xi32, #tpu.memory_space<vmem>> -> memref<1x1x40xi32, #tpu.memory_space<vmem>>
      %dma_wait3A_305 = tpu.memref_squeeze %dma_wait3A_304 : memref<1x1x40xi32, #tpu.memory_space<vmem>> -> memref<40xi32, #tpu.memory_space<vmem>>
      %dma_wait3A_306 = arith.constant 0 : i32
      %dma_wait3A_307 = arith.constant 0 : i32
      %dma_wait3A_308 = tpu.memref_slice %arg2[%dma_wait3A_306, %dma_wait3A_307] : memref<276480x128xf32, #tpu.memory_space<hbm>> -> memref<276480x128xf32, #tpu.memory_space<hbm>>
      tpu.wait_indirect_dma semaphore(%arg7 : memref<!tpu.dma_semaphore, #tpu.memory_space<semaphore_mem>>) src(%dma_wait3A_308 : memref<276480x128xf32, #tpu.memory_space<hbm>>) dst(%dma_wait3A_302 : memref<40x128xf32, #tpu.memory_space<vmem>>)
      %dma_wait3A_309 = arith.constant 0 : i32
      %dma_wait3A_310 = arith.constant 13 : i32
      %dma_wait3A_311 = arith.constant 520 : i32
      %dma_wait3A_312 = arith.constant 0 : i32
      %dma_wait3A_313 = tpu.memref_slice %arg6[%dma_wait3A_311, %dma_wait3A_312] : memref<560x128xf32, #tpu.memory_space<vmem>> -> memref<40x128xf32, #tpu.memory_space<vmem>>
      %dma_wait3A_314 = arith.constant 0 : i32
      %dma_wait3A_315 = tpu.memref_slice %arg5[%dma_wait3A_309, %dma_wait3A_310, %dma_wait3A_314] : memref<27x14x40xi32, #tpu.memory_space<vmem>> -> memref<1x1x40xi32, #tpu.memory_space<vmem>>
      %dma_wait3A_316 = tpu.memref_squeeze %dma_wait3A_315 : memref<1x1x40xi32, #tpu.memory_space<vmem>> -> memref<40xi32, #tpu.memory_space<vmem>>
      %dma_wait3A_317 = arith.constant 0 : i32
      %dma_wait3A_318 = arith.constant 0 : i32
      %dma_wait3A_319 = tpu.memref_slice %arg2[%dma_wait3A_317, %dma_wait3A_318] : memref<276480x128xf32, #tpu.memory_space<hbm>> -> memref<276480x128xf32, #tpu.memory_space<hbm>>
      tpu.wait_indirect_dma semaphore(%arg7 : memref<!tpu.dma_semaphore, #tpu.memory_space<semaphore_mem>>) src(%dma_wait3A_319 : memref<276480x128xf32, #tpu.memory_space<hbm>>) dst(%dma_wait3A_313 : memref<40x128xf32, #tpu.memory_space<vmem>>)
      "tpu.region"() ({
        %run_scoped3A = tpu.sem_alloc : memref<!tpu.dma_semaphore, #tpu.memory_space<semaphore_mem>>
        %dma_start3A_320 = arith.constant 0 : i32
        %dma_start3A_321 = arith.constant 0 : i32
        %dma_start3A_322 = tpu.memref_slice %arg6[%dma_start3A_320, %dma_start3A_321] : memref<560x128xf32, #tpu.memory_space<vmem>> -> memref<560x128xf32, #tpu.memory_space<vmem>>
        %dma_start3A_323 = arith.constant 0 : i32
        %dma_start3A_324 = tpu.memref_slice %arg4[%mul3A_8, %dma_start3A_323] : memref<10240x128xf32, #tpu.memory_space<hbm>> -> memref<560x128xf32, #tpu.memory_space<hbm>>
        %dma_start3A_325 = arith.constant 0 : i32
        %dma_start3A_326 = tpu.memref_slice %arg4[%mul3A_8, %dma_start3A_325] : memref<10240x128xf32, #tpu.memory_space<hbm>> -> memref<560x128xf32, #tpu.memory_space<hbm>>
        %dma_start3A_327 = arith.constant 0 : i32
        %dma_start3A_328 = arith.constant 0 : i32
        %dma_start3A_329 = tpu.memref_slice %arg6[%dma_start3A_327, %dma_start3A_328] : memref<560x128xf32, #tpu.memory_space<vmem>> -> memref<560x128xf32, #tpu.memory_space<vmem>>
        tpu.enqueue_dma source(%dma_start3A_329 : memref<560x128xf32, #tpu.memory_space<vmem>>) target(%dma_start3A_326 : memref<560x128xf32, #tpu.memory_space<hbm>>) target_semaphore(%run_scoped3A : memref<!tpu.dma_semaphore, #tpu.memory_space<semaphore_mem>>)
        %dma_wait3A_330 = arith.constant 0 : i32
        %dma_wait3A_331 = arith.constant 0 : i32
        %dma_wait3A_332 = tpu.memref_slice %arg6[%dma_wait3A_330, %dma_wait3A_331] : memref<560x128xf32, #tpu.memory_space<vmem>> -> memref<560x128xf32, #tpu.memory_space<vmem>>
        %dma_wait3A_333 = arith.constant 0 : i32
        %dma_wait3A_334 = tpu.memref_slice %arg4[%mul3A_8, %dma_wait3A_333] : memref<10240x128xf32, #tpu.memory_space<hbm>> -> memref<560x128xf32, #tpu.memory_space<hbm>>
        %dma_wait3A_335 = arith.constant 0 : i32
        %dma_wait3A_336 = tpu.memref_slice %arg4[%mul3A_8, %dma_wait3A_335] : memref<10240x128xf32, #tpu.memory_space<hbm>> -> memref<560x128xf32, #tpu.memory_space<hbm>>
        %dma_wait3A_337 = arith.constant 0 : i32
        %dma_wait3A_338 = arith.constant 0 : i32
        %dma_wait3A_339 = tpu.memref_slice %arg6[%dma_wait3A_337, %dma_wait3A_338] : memref<560x128xf32, #tpu.memory_space<vmem>> -> memref<560x128xf32, #tpu.memory_space<vmem>>
        tpu.wait_dma2 semaphore(%run_scoped3A : memref<!tpu.dma_semaphore, #tpu.memory_space<semaphore_mem>>) src(%dma_wait3A_339 : memref<560x128xf32, #tpu.memory_space<vmem>>) dst(%dma_wait3A_336 : memref<560x128xf32, #tpu.memory_space<hbm>>)
        tpu.yield
      }) : () -> ()
    } else {
    }
    %ne3A = arith.constant 0 : i32
    %ne3A_3 = arith.cmpi ne, %arg0, %ne3A : i32
    %convert_element_type3A_4 = arith.extui %ne3A_3 : i1 to i32
    %cond3A_5 = arith.constant 0 : i32
    %cond3A_6 = arith.cmpi ne, %convert_element_type3A_4, %cond3A_5 : i32
    scf.if %cond3A_6 {
      %mul3A_7 = arith.constant 80 : i32
      %mul3A_8 = arith.muli %arg1, %mul3A_7 : i32
      %add3A_9 = arith.constant 8960 : i32
      %add3A_10 = arith.addi %add3A_9, %mul3A_8 : i32
      %dma_start3A = arith.constant 0 : i32
      %dma_start3A_11 = arith.constant 0 : i32
      %dma_start3A_12 = arith.constant 0 : i32
      %dma_start3A_13 = arith.constant 0 : i32
      %dma_start3A_14 = tpu.memref_slice %arg6[%dma_start3A_12, %dma_start3A_13] : memref<560x128xf32, #tpu.memory_space<vmem>> -> memref<40x128xf32, #tpu.memory_space<vmem>>
      %dma_start3A_15 = arith.constant 0 : i32
      %dma_start3A_16 = tpu.memref_slice %arg5[%dma_start3A, %dma_start3A_11, %dma_start3A_15] : memref<27x14x40xi32, #tpu.memory_space<vmem>> -> memref<1x1x40xi32, #tpu.memory_space<vmem>>
      %dma_start3A_17 = tpu.memref_squeeze %dma_start3A_16 : memref<1x1x40xi32, #tpu.memory_space<vmem>> -> memref<40xi32, #tpu.memory_space<vmem>>
      %dma_start3A_18 = arith.constant 0 : i32
      %dma_start3A_19 = arith.constant 0 : i32
      %dma_start3A_20 = tpu.memref_slice %arg2[%dma_start3A_18, %dma_start3A_19] : memref<276480x128xf32, #tpu.memory_space<hbm>> -> memref<276480x128xf32, #tpu.memory_space<hbm>>
      tpu.enqueue_indirect_dma source(%dma_start3A_20 : memref<276480x128xf32, #tpu.memory_space<hbm>>) target(%dma_start3A_14 : memref<40x128xf32, #tpu.memory_space<vmem>>) offsets(%dma_start3A_17 : memref<40xi32, #tpu.memory_space<vmem>>) semaphore(%arg7 : memref<!tpu.dma_semaphore, #tpu.memory_space<semaphore_mem>>)
      %dma_start3A_21 = arith.constant 0 : i32
      %dma_start3A_22 = arith.constant 1 : i32
      %dma_start3A_23 = arith.constant 40 : i32
      %dma_start3A_24 = arith.constant 0 : i32
      %dma_start3A_25 = tpu.memref_slice %arg6[%dma_start3A_23, %dma_start3A_24] : memref<560x128xf32, #tpu.memory_space<vmem>> -> memref<40x128xf32, #tpu.memory_space<vmem>>
      %dma_start3A_26 = arith.constant 0 : i32
      %dma_start3A_27 = tpu.memref_slice %arg5[%dma_start3A_21, %dma_start3A_22, %dma_start3A_26] : memref<27x14x40xi32, #tpu.memory_space<vmem>> -> memref<1x1x40xi32, #tpu.memory_space<vmem>>
      %dma_start3A_28 = tpu.memref_squeeze %dma_start3A_27 : memref<1x1x40xi32, #tpu.memory_space<vmem>> -> memref<40xi32, #tpu.memory_space<vmem>>
      %dma_start3A_29 = arith.constant 0 : i32
      %dma_start3A_30 = arith.constant 0 : i32
      %dma_start3A_31 = tpu.memref_slice %arg2[%dma_start3A_29, %dma_start3A_30] : memref<276480x128xf32, #tpu.memory_space<hbm>> -> memref<276480x128xf32, #tpu.memory_space<hbm>>
      tpu.enqueue_indirect_dma source(%dma_start3A_31 : memref<276480x128xf32, #tpu.memory_space<hbm>>) target(%dma_start3A_25 : memref<40x128xf32, #tpu.memory_space<vmem>>) offsets(%dma_start3A_28 : memref<40xi32, #tpu.memory_space<vmem>>) semaphore(%arg7 : memref<!tpu.dma_semaphore, #tpu.memory_space<semaphore_mem>>)
      %scan3A = arith.constant 0 : i32
      %scan3A_32 = arith.constant 1 : i32
      %scan3A_33 = arith.constant 26 : i32
      %scan3A_34 = arith.addi %scan3A_32, %scan3A_33 : i32
      %scan3A_35 = arith.constant 1 : i32
      scf.for %scan3A_58 = %scan3A_32 to %scan3A_34 step %scan3A_35  : i32 {
        %dma_wait3A_59 = arith.constant 0 : i32
        %dma_wait3A_60 = arith.constant 0 : i32
        %dma_wait3A_61 = arith.constant 0 : i32
        %dma_wait3A_62 = arith.constant 0 : i32
        %dma_wait3A_63 = tpu.memref_slice %arg6[%dma_wait3A_61, %dma_wait3A_62] : memref<560x128xf32, #tpu.memory_space<vmem>> -> memref<40x128xf32, #tpu.memory_space<vmem>>
        %dma_wait3A_64 = arith.constant 0 : i32
        %dma_wait3A_65 = tpu.memref_slice %arg5[%dma_wait3A_59, %dma_wait3A_60, %dma_wait3A_64] : memref<27x14x40xi32, #tpu.memory_space<vmem>> -> memref<1x1x40xi32, #tpu.memory_space<vmem>>
        %dma_wait3A_66 = tpu.memref_squeeze %dma_wait3A_65 : memref<1x1x40xi32, #tpu.memory_space<vmem>> -> memref<40xi32, #tpu.memory_space<vmem>>
        %dma_wait3A_67 = arith.constant 0 : i32
        %dma_wait3A_68 = arith.constant 0 : i32
        %dma_wait3A_69 = tpu.memref_slice %arg2[%dma_wait3A_67, %dma_wait3A_68] : memref<276480x128xf32, #tpu.memory_space<hbm>> -> memref<276480x128xf32, #tpu.memory_space<hbm>>
        tpu.wait_indirect_dma semaphore(%arg7 : memref<!tpu.dma_semaphore, #tpu.memory_space<semaphore_mem>>) src(%dma_wait3A_69 : memref<276480x128xf32, #tpu.memory_space<hbm>>) dst(%dma_wait3A_63 : memref<40x128xf32, #tpu.memory_space<vmem>>)
        %dma_start3A_70 = arith.constant 0 : i32
        %dma_start3A_71 = arith.constant 0 : i32
        %dma_start3A_72 = arith.constant 0 : i32
        %dma_start3A_73 = tpu.memref_slice %arg6[%dma_start3A_71, %dma_start3A_72] : memref<560x128xf32, #tpu.memory_space<vmem>> -> memref<40x128xf32, #tpu.memory_space<vmem>>
        %dma_start3A_74 = arith.constant 0 : i32
        %dma_start3A_75 = tpu.memref_slice %arg5[%scan3A_58, %dma_start3A_70, %dma_start3A_74] : memref<27x14x40xi32, #tpu.memory_space<vmem>> -> memref<1x1x40xi32, #tpu.memory_space<vmem>>
        %dma_start3A_76 = tpu.memref_squeeze %dma_start3A_75 : memref<1x1x40xi32, #tpu.memory_space<vmem>> -> memref<40xi32, #tpu.memory_space<vmem>>
        %dma_start3A_77 = arith.constant 0 : i32
        %dma_start3A_78 = arith.constant 0 : i32
        %dma_start3A_79 = tpu.memref_slice %arg2[%dma_start3A_77, %dma_start3A_78] : memref<276480x128xf32, #tpu.memory_space<hbm>> -> memref<276480x128xf32, #tpu.memory_space<hbm>>
        tpu.enqueue_indirect_dma source(%dma_start3A_79 : memref<276480x128xf32, #tpu.memory_space<hbm>>) target(%dma_start3A_73 : memref<40x128xf32, #tpu.memory_space<vmem>>) offsets(%dma_start3A_76 : memref<40xi32, #tpu.memory_space<vmem>>) semaphore(%arg7 : memref<!tpu.dma_semaphore, #tpu.memory_space<semaphore_mem>>) {add = true}
        %dma_wait3A_80 = arith.constant 0 : i32
        %dma_wait3A_81 = arith.constant 1 : i32
        %dma_wait3A_82 = arith.constant 40 : i32
        %dma_wait3A_83 = arith.constant 0 : i32
        %dma_wait3A_84 = tpu.memref_slice %arg6[%dma_wait3A_82, %dma_wait3A_83] : memref<560x128xf32, #tpu.memory_space<vmem>> -> memref<40x128xf32, #tpu.memory_space<vmem>>
        %dma_wait3A_85 = arith.constant 0 : i32
        %dma_wait3A_86 = tpu.memref_slice %arg5[%dma_wait3A_80, %dma_wait3A_81, %dma_wait3A_85] : memref<27x14x40xi32, #tpu.memory_space<vmem>> -> memref<1x1x40xi32, #tpu.memory_space<vmem>>
        %dma_wait3A_87 = tpu.memref_squeeze %dma_wait3A_86 : memref<1x1x40xi32, #tpu.memory_space<vmem>> -> memref<40xi32, #tpu.memory_space<vmem>>
        %dma_wait3A_88 = arith.constant 0 : i32
        %dma_wait3A_89 = arith.constant 0 : i32
        %dma_wait3A_90 = tpu.memref_slice %arg2[%dma_wait3A_88, %dma_wait3A_89] : memref<276480x128xf32, #tpu.memory_space<hbm>> -> memref<276480x128xf32, #tpu.memory_space<hbm>>
        tpu.wait_indirect_dma semaphore(%arg7 : memref<!tpu.dma_semaphore, #tpu.memory_space<semaphore_mem>>) src(%dma_wait3A_90 : memref<276480x128xf32, #tpu.memory_space<hbm>>) dst(%dma_wait3A_84 : memref<40x128xf32, #tpu.memory_space<vmem>>)
        %dma_start3A_91 = arith.constant 1 : i32
        %dma_start3A_92 = arith.constant 40 : i32
        %dma_start3A_93 = arith.constant 0 : i32
        %dma_start3A_94 = tpu.memref_slice %arg6[%dma_start3A_92, %dma_start3A_93] : memref<560x128xf32, #tpu.memory_space<vmem>> -> memref<40x128xf32, #tpu.memory_space<vmem>>
        %dma_start3A_95 = arith.constant 0 : i32
        %dma_start3A_96 = tpu.memref_slice %arg5[%scan3A_58, %dma_start3A_91, %dma_start3A_95] : memref<27x14x40xi32, #tpu.memory_space<vmem>> -> memref<1x1x40xi32, #tpu.memory_space<vmem>>
        %dma_start3A_97 = tpu.memref_squeeze %dma_start3A_96 : memref<1x1x40xi32, #tpu.memory_space<vmem>> -> memref<40xi32, #tpu.memory_space<vmem>>
        %dma_start3A_98 = arith.constant 0 : i32
        %dma_start3A_99 = arith.constant 0 : i32
        %dma_start3A_100 = tpu.memref_slice %arg2[%dma_start3A_98, %dma_start3A_99] : memref<276480x128xf32, #tpu.memory_space<hbm>> -> memref<276480x128xf32, #tpu.memory_space<hbm>>
        tpu.enqueue_indirect_dma source(%dma_start3A_100 : memref<276480x128xf32, #tpu.memory_space<hbm>>) target(%dma_start3A_94 : memref<40x128xf32, #tpu.memory_space<vmem>>) offsets(%dma_start3A_97 : memref<40xi32, #tpu.memory_space<vmem>>) semaphore(%arg7 : memref<!tpu.dma_semaphore, #tpu.memory_space<semaphore_mem>>) {add = true}
      }
      %scan3A_36 = arith.constant 26 : i32
      %dma_wait3A = arith.constant 0 : i32
      %dma_wait3A_37 = arith.constant 0 : i32
      %dma_wait3A_38 = arith.constant 0 : i32
      %dma_wait3A_39 = arith.constant 0 : i32
      %dma_wait3A_40 = tpu.memref_slice %arg6[%dma_wait3A_38, %dma_wait3A_39] : memref<560x128xf32, #tpu.memory_space<vmem>> -> memref<40x128xf32, #tpu.memory_space<vmem>>
      %dma_wait3A_41 = arith.constant 0 : i32
      %dma_wait3A_42 = tpu.memref_slice %arg5[%dma_wait3A, %dma_wait3A_37, %dma_wait3A_41] : memref<27x14x40xi32, #tpu.memory_space<vmem>> -> memref<1x1x40xi32, #tpu.memory_space<vmem>>
      %dma_wait3A_43 = tpu.memref_squeeze %dma_wait3A_42 : memref<1x1x40xi32, #tpu.memory_space<vmem>> -> memref<40xi32, #tpu.memory_space<vmem>>
      %dma_wait3A_44 = arith.constant 0 : i32
      %dma_wait3A_45 = arith.constant 0 : i32
      %dma_wait3A_46 = tpu.memref_slice %arg2[%dma_wait3A_44, %dma_wait3A_45] : memref<276480x128xf32, #tpu.memory_space<hbm>> -> memref<276480x128xf32, #tpu.memory_space<hbm>>
      tpu.wait_indirect_dma semaphore(%arg7 : memref<!tpu.dma_semaphore, #tpu.memory_space<semaphore_mem>>) src(%dma_wait3A_46 : memref<276480x128xf32, #tpu.memory_space<hbm>>) dst(%dma_wait3A_40 : memref<40x128xf32, #tpu.memory_space<vmem>>)
      %dma_wait3A_47 = arith.constant 0 : i32
      %dma_wait3A_48 = arith.constant 1 : i32
      %dma_wait3A_49 = arith.constant 40 : i32
      %dma_wait3A_50 = arith.constant 0 : i32
      %dma_wait3A_51 = tpu.memref_slice %arg6[%dma_wait3A_49, %dma_wait3A_50] : memref<560x128xf32, #tpu.memory_space<vmem>> -> memref<40x128xf32, #tpu.memory_space<vmem>>
      %dma_wait3A_52 = arith.constant 0 : i32
      %dma_wait3A_53 = tpu.memref_slice %arg5[%dma_wait3A_47, %dma_wait3A_48, %dma_wait3A_52] : memref<27x14x40xi32, #tpu.memory_space<vmem>> -> memref<1x1x40xi32, #tpu.memory_space<vmem>>
      %dma_wait3A_54 = tpu.memref_squeeze %dma_wait3A_53 : memref<1x1x40xi32, #tpu.memory_space<vmem>> -> memref<40xi32, #tpu.memory_space<vmem>>
      %dma_wait3A_55 = arith.constant 0 : i32
      %dma_wait3A_56 = arith.constant 0 : i32
      %dma_wait3A_57 = tpu.memref_slice %arg2[%dma_wait3A_55, %dma_wait3A_56] : memref<276480x128xf32, #tpu.memory_space<hbm>> -> memref<276480x128xf32, #tpu.memory_space<hbm>>
      tpu.wait_indirect_dma semaphore(%arg7 : memref<!tpu.dma_semaphore, #tpu.memory_space<semaphore_mem>>) src(%dma_wait3A_57 : memref<276480x128xf32, #tpu.memory_space<hbm>>) dst(%dma_wait3A_51 : memref<40x128xf32, #tpu.memory_space<vmem>>)
      "tpu.region"() ({
        %run_scoped3A = tpu.sem_alloc : memref<!tpu.dma_semaphore, #tpu.memory_space<semaphore_mem>>
        %dma_start3A_58 = arith.constant 0 : i32
        %dma_start3A_59 = arith.constant 0 : i32
        %dma_start3A_60 = tpu.memref_slice %arg6[%dma_start3A_58, %dma_start3A_59] : memref<560x128xf32, #tpu.memory_space<vmem>> -> memref<80x128xf32, #tpu.memory_space<vmem>>
        %dma_start3A_61 = arith.constant 0 : i32
        %dma_start3A_62 = tpu.memref_slice %arg4[%add3A_10, %dma_start3A_61] : memref<10240x128xf32, #tpu.memory_space<hbm>> -> memref<80x128xf32, #tpu.memory_space<hbm>>
        %dma_start3A_63 = arith.constant 0 : i32
        %dma_start3A_64 = tpu.memref_slice %arg4[%add3A_10, %dma_start3A_63] : memref<10240x128xf32, #tpu.memory_space<hbm>> -> memref<80x128xf32, #tpu.memory_space<hbm>>
        %dma_start3A_65 = arith.constant 0 : i32
        %dma_start3A_66 = arith.constant 0 : i32
        %dma_start3A_67 = tpu.memref_slice %arg6[%dma_start3A_65, %dma_start3A_66] : memref<560x128xf32, #tpu.memory_space<vmem>> -> memref<80x128xf32, #tpu.memory_space<vmem>>
        tpu.enqueue_dma source(%dma_start3A_67 : memref<80x128xf32, #tpu.memory_space<vmem>>) target(%dma_start3A_64 : memref<80x128xf32, #tpu.memory_space<hbm>>) target_semaphore(%run_scoped3A : memref<!tpu.dma_semaphore, #tpu.memory_space<semaphore_mem>>)
        %dma_wait3A_68 = arith.constant 0 : i32
        %dma_wait3A_69 = arith.constant 0 : i32
        %dma_wait3A_70 = tpu.memref_slice %arg6[%dma_wait3A_68, %dma_wait3A_69] : memref<560x128xf32, #tpu.memory_space<vmem>> -> memref<80x128xf32, #tpu.memory_space<vmem>>
        %dma_wait3A_71 = arith.constant 0 : i32
        %dma_wait3A_72 = tpu.memref_slice %arg4[%add3A_10, %dma_wait3A_71] : memref<10240x128xf32, #tpu.memory_space<hbm>> -> memref<80x128xf32, #tpu.memory_space<hbm>>
        %dma_wait3A_73 = arith.constant 0 : i32
        %dma_wait3A_74 = tpu.memref_slice %arg4[%add3A_10, %dma_wait3A_73] : memref<10240x128xf32, #tpu.memory_space<hbm>> -> memref<80x128xf32, #tpu.memory_space<hbm>>
        %dma_wait3A_75 = arith.constant 0 : i32
        %dma_wait3A_76 = arith.constant 0 : i32
        %dma_wait3A_77 = tpu.memref_slice %arg6[%dma_wait3A_75, %dma_wait3A_76] : memref<560x128xf32, #tpu.memory_space<vmem>> -> memref<80x128xf32, #tpu.memory_space<vmem>>
        tpu.wait_dma2 semaphore(%run_scoped3A : memref<!tpu.dma_semaphore, #tpu.memory_space<semaphore_mem>>) src(%dma_wait3A_77 : memref<80x128xf32, #tpu.memory_space<vmem>>) dst(%dma_wait3A_74 : memref<80x128xf32, #tpu.memory_space<hbm>>)
        tpu.yield
      }) : () -> ()
    } else {
    }
    return
  }
}

module attributes {stable_mosaic.version = 14 : i64} {
  func.func @_mm_body(%arg0: i32, %arg1: memref<256x128xf32, #tpu.memory_space<vmem>>, %arg2: memref<27x128x128xf32, #tpu.memory_space<vmem>>, %arg3: memref<27x256x128xf32, #tpu.memory_space<vmem>>) attributes {dimension_semantics = [#tpu.dimension_semantics<arbitrary>], iteration_bounds = array<i64: 40>, scalar_prefetch = 0 : i64, scratch_operands = 0 : i64, tpu.core_type = #tpu.core_type<tc>, window_params = [{transform_indices = @transform_0, window_bounds = array<i64: 256, 128>}, {pipeline_mode = #tpu.pipeline_mode<synchronous>, transform_indices = @transform_1, window_bounds = array<i64: 27, 128, 128>}, {transform_indices = @transform_2, window_bounds = array<i64: 27, 256, 128>}]} {
    %get3A = arith.constant 0 : index
    %get3A_0 = arith.constant 0 : index
    %get3A_1 = vector.load %arg1[%get3A, %get3A_0] : memref<256x128xf32, #tpu.memory_space<vmem>>, vector<256x128xf32>
    %convert_element_type3A = arith.truncf %get3A_1 : vector<256x128xf32> to vector<256x128xbf16>
    %get3A_2 = arith.constant 0 : index
    %get3A_3 = arith.constant 0 : index
    %get3A_4 = arith.constant 0 : index
    %get3A_5 = vector.load %arg2[%get3A_2, %get3A_3, %get3A_4] : memref<27x128x128xf32, #tpu.memory_space<vmem>>, vector<27x128x128xf32>
    %convert_element_type3A_6 = arith.truncf %get3A_5 : vector<27x128x128xf32> to vector<27x128x128xbf16>
    %slice3A = vector.extract_strided_slice %convert_element_type3A_6 {offsets = [0, 0, 0], sizes = [1, 128, 128], strides = [1, 1, 1]} : vector<27x128x128xbf16> to vector<1x128x128xbf16>
    %squeeze3A = vector.shape_cast %slice3A : vector<1x128x128xbf16> to vector<128x128xbf16>
    %dot_general3A = arith.constant dense<0.000000e+00> : vector<256x128xf32>
    %dot_general3A_7 = tpu.matmul %convert_element_type3A, %squeeze3A, %dot_general3A {dimension_numbers = #tpu.dot_dimension_numbers<[1], [0], [0], [1], [0, 0, 1, 1], [], []>, transpose_lhs_hint = false} : vector<256x128xbf16>, vector<128x128xbf16>, vector<256x128xf32> -> vector<256x128xf32>
    %swap3A = arith.constant 0 : index
    %swap3A_8 = arith.constant 0 : index
    %swap3A_9 = arith.constant 0 : index
    %swap3A_10 = vector.load %arg3[%swap3A, %swap3A_8, %swap3A_9] : memref<27x256x128xf32, #tpu.memory_space<vmem>>, vector<1x256x128xf32>
    %swap3A_11 = vector.shape_cast %swap3A_10 : vector<1x256x128xf32> to vector<256x128xf32>
    %swap3A_12 = vector.shape_cast %dot_general3A_7 : vector<256x128xf32> to vector<1x256x128xf32>
    tpu.vector_store %arg3[%swap3A, %swap3A_8, %swap3A_9], %swap3A_12 {strides = array<i32>} : memref<27x256x128xf32, #tpu.memory_space<vmem>>, vector<1x256x128xf32>,
    %slice3A_13 = vector.extract_strided_slice %convert_element_type3A_6 {offsets = [1, 0, 0], sizes = [1, 128, 128], strides = [1, 1, 1]} : vector<27x128x128xbf16> to vector<1x128x128xbf16>
    %squeeze3A_14 = vector.shape_cast %slice3A_13 : vector<1x128x128xbf16> to vector<128x128xbf16>
    %dot_general3A_15 = arith.constant dense<0.000000e+00> : vector<256x128xf32>
    %dot_general3A_16 = tpu.matmul %convert_element_type3A, %squeeze3A_14, %dot_general3A_15 {dimension_numbers = #tpu.dot_dimension_numbers<[1], [0], [0], [1], [0, 0, 1, 1], [], []>, transpose_lhs_hint = false} : vector<256x128xbf16>, vector<128x128xbf16>, vector<256x128xf32> -> vector<256x128xf32>
    %swap3A_17 = arith.constant 1 : index
    %swap3A_18 = arith.constant 0 : index
    %swap3A_19 = arith.constant 0 : index
    %swap3A_20 = vector.load %arg3[%swap3A_17, %swap3A_18, %swap3A_19] : memref<27x256x128xf32, #tpu.memory_space<vmem>>, vector<1x256x128xf32>
    %swap3A_21 = vector.shape_cast %swap3A_20 : vector<1x256x128xf32> to vector<256x128xf32>
    %swap3A_22 = vector.shape_cast %dot_general3A_16 : vector<256x128xf32> to vector<1x256x128xf32>
    tpu.vector_store %arg3[%swap3A_17, %swap3A_18, %swap3A_19], %swap3A_22 {strides = array<i32>} : memref<27x256x128xf32, #tpu.memory_space<vmem>>, vector<1x256x128xf32>,
    %slice3A_23 = vector.extract_strided_slice %convert_element_type3A_6 {offsets = [2, 0, 0], sizes = [1, 128, 128], strides = [1, 1, 1]} : vector<27x128x128xbf16> to vector<1x128x128xbf16>
    %squeeze3A_24 = vector.shape_cast %slice3A_23 : vector<1x128x128xbf16> to vector<128x128xbf16>
    %dot_general3A_25 = arith.constant dense<0.000000e+00> : vector<256x128xf32>
    %dot_general3A_26 = tpu.matmul %convert_element_type3A, %squeeze3A_24, %dot_general3A_25 {dimension_numbers = #tpu.dot_dimension_numbers<[1], [0], [0], [1], [0, 0, 1, 1], [], []>, transpose_lhs_hint = false} : vector<256x128xbf16>, vector<128x128xbf16>, vector<256x128xf32> -> vector<256x128xf32>
    %swap3A_27 = arith.constant 2 : index
    %swap3A_28 = arith.constant 0 : index
    %swap3A_29 = arith.constant 0 : index
    %swap3A_30 = vector.load %arg3[%swap3A_27, %swap3A_28, %swap3A_29] : memref<27x256x128xf32, #tpu.memory_space<vmem>>, vector<1x256x128xf32>
    %swap3A_31 = vector.shape_cast %swap3A_30 : vector<1x256x128xf32> to vector<256x128xf32>
    %swap3A_32 = vector.shape_cast %dot_general3A_26 : vector<256x128xf32> to vector<1x256x128xf32>
    tpu.vector_store %arg3[%swap3A_27, %swap3A_28, %swap3A_29], %swap3A_32 {strides = array<i32>} : memref<27x256x128xf32, #tpu.memory_space<vmem>>, vector<1x256x128xf32>,
    %slice3A_33 = vector.extract_strided_slice %convert_element_type3A_6 {offsets = [3, 0, 0], sizes = [1, 128, 128], strides = [1, 1, 1]} : vector<27x128x128xbf16> to vector<1x128x128xbf16>
    %squeeze3A_34 = vector.shape_cast %slice3A_33 : vector<1x128x128xbf16> to vector<128x128xbf16>
    %dot_general3A_35 = arith.constant dense<0.000000e+00> : vector<256x128xf32>
    %dot_general3A_36 = tpu.matmul %convert_element_type3A, %squeeze3A_34, %dot_general3A_35 {dimension_numbers = #tpu.dot_dimension_numbers<[1], [0], [0], [1], [0, 0, 1, 1], [], []>, transpose_lhs_hint = false} : vector<256x128xbf16>, vector<128x128xbf16>, vector<256x128xf32> -> vector<256x128xf32>
    %swap3A_37 = arith.constant 3 : index
    %swap3A_38 = arith.constant 0 : index
    %swap3A_39 = arith.constant 0 : index
    %swap3A_40 = vector.load %arg3[%swap3A_37, %swap3A_38, %swap3A_39] : memref<27x256x128xf32, #tpu.memory_space<vmem>>, vector<1x256x128xf32>
    %swap3A_41 = vector.shape_cast %swap3A_40 : vector<1x256x128xf32> to vector<256x128xf32>
    %swap3A_42 = vector.shape_cast %dot_general3A_36 : vector<256x128xf32> to vector<1x256x128xf32>
    tpu.vector_store %arg3[%swap3A_37, %swap3A_38, %swap3A_39], %swap3A_42 {strides = array<i32>} : memref<27x256x128xf32, #tpu.memory_space<vmem>>, vector<1x256x128xf32>,
    %slice3A_43 = vector.extract_strided_slice %convert_element_type3A_6 {offsets = [4, 0, 0], sizes = [1, 128, 128], strides = [1, 1, 1]} : vector<27x128x128xbf16> to vector<1x128x128xbf16>
    %squeeze3A_44 = vector.shape_cast %slice3A_43 : vector<1x128x128xbf16> to vector<128x128xbf16>
    %dot_general3A_45 = arith.constant dense<0.000000e+00> : vector<256x128xf32>
    %dot_general3A_46 = tpu.matmul %convert_element_type3A, %squeeze3A_44, %dot_general3A_45 {dimension_numbers = #tpu.dot_dimension_numbers<[1], [0], [0], [1], [0, 0, 1, 1], [], []>, transpose_lhs_hint = false} : vector<256x128xbf16>, vector<128x128xbf16>, vector<256x128xf32> -> vector<256x128xf32>
    %swap3A_47 = arith.constant 4 : index
    %swap3A_48 = arith.constant 0 : index
    %swap3A_49 = arith.constant 0 : index
    %swap3A_50 = vector.load %arg3[%swap3A_47, %swap3A_48, %swap3A_49] : memref<27x256x128xf32, #tpu.memory_space<vmem>>, vector<1x256x128xf32>
    %swap3A_51 = vector.shape_cast %swap3A_50 : vector<1x256x128xf32> to vector<256x128xf32>
    %swap3A_52 = vector.shape_cast %dot_general3A_46 : vector<256x128xf32> to vector<1x256x128xf32>
    tpu.vector_store %arg3[%swap3A_47, %swap3A_48, %swap3A_49], %swap3A_52 {strides = array<i32>} : memref<27x256x128xf32, #tpu.memory_space<vmem>>, vector<1x256x128xf32>,
    %slice3A_53 = vector.extract_strided_slice %convert_element_type3A_6 {offsets = [5, 0, 0], sizes = [1, 128, 128], strides = [1, 1, 1]} : vector<27x128x128xbf16> to vector<1x128x128xbf16>
    %squeeze3A_54 = vector.shape_cast %slice3A_53 : vector<1x128x128xbf16> to vector<128x128xbf16>
    %dot_general3A_55 = arith.constant dense<0.000000e+00> : vector<256x128xf32>
    %dot_general3A_56 = tpu.matmul %convert_element_type3A, %squeeze3A_54, %dot_general3A_55 {dimension_numbers = #tpu.dot_dimension_numbers<[1], [0], [0], [1], [0, 0, 1, 1], [], []>, transpose_lhs_hint = false} : vector<256x128xbf16>, vector<128x128xbf16>, vector<256x128xf32> -> vector<256x128xf32>
    %swap3A_57 = arith.constant 5 : index
    %swap3A_58 = arith.constant 0 : index
    %swap3A_59 = arith.constant 0 : index
    %swap3A_60 = vector.load %arg3[%swap3A_57, %swap3A_58, %swap3A_59] : memref<27x256x128xf32, #tpu.memory_space<vmem>>, vector<1x256x128xf32>
    %swap3A_61 = vector.shape_cast %swap3A_60 : vector<1x256x128xf32> to vector<256x128xf32>
    %swap3A_62 = vector.shape_cast %dot_general3A_56 : vector<256x128xf32> to vector<1x256x128xf32>
    tpu.vector_store %arg3[%swap3A_57, %swap3A_58, %swap3A_59], %swap3A_62 {strides = array<i32>} : memref<27x256x128xf32, #tpu.memory_space<vmem>>, vector<1x256x128xf32>,
    %slice3A_63 = vector.extract_strided_slice %convert_element_type3A_6 {offsets = [6, 0, 0], sizes = [1, 128, 128], strides = [1, 1, 1]} : vector<27x128x128xbf16> to vector<1x128x128xbf16>
    %squeeze3A_64 = vector.shape_cast %slice3A_63 : vector<1x128x128xbf16> to vector<128x128xbf16>
    %dot_general3A_65 = arith.constant dense<0.000000e+00> : vector<256x128xf32>
    %dot_general3A_66 = tpu.matmul %convert_element_type3A, %squeeze3A_64, %dot_general3A_65 {dimension_numbers = #tpu.dot_dimension_numbers<[1], [0], [0], [1], [0, 0, 1, 1], [], []>, transpose_lhs_hint = false} : vector<256x128xbf16>, vector<128x128xbf16>, vector<256x128xf32> -> vector<256x128xf32>
    %swap3A_67 = arith.constant 6 : index
    %swap3A_68 = arith.constant 0 : index
    %swap3A_69 = arith.constant 0 : index
    %swap3A_70 = vector.load %arg3[%swap3A_67, %swap3A_68, %swap3A_69] : memref<27x256x128xf32, #tpu.memory_space<vmem>>, vector<1x256x128xf32>
    %swap3A_71 = vector.shape_cast %swap3A_70 : vector<1x256x128xf32> to vector<256x128xf32>
    %swap3A_72 = vector.shape_cast %dot_general3A_66 : vector<256x128xf32> to vector<1x256x128xf32>
    tpu.vector_store %arg3[%swap3A_67, %swap3A_68, %swap3A_69], %swap3A_72 {strides = array<i32>} : memref<27x256x128xf32, #tpu.memory_space<vmem>>, vector<1x256x128xf32>,
    %slice3A_73 = vector.extract_strided_slice %convert_element_type3A_6 {offsets = [7, 0, 0], sizes = [1, 128, 128], strides = [1, 1, 1]} : vector<27x128x128xbf16> to vector<1x128x128xbf16>
    %squeeze3A_74 = vector.shape_cast %slice3A_73 : vector<1x128x128xbf16> to vector<128x128xbf16>
    %dot_general3A_75 = arith.constant dense<0.000000e+00> : vector<256x128xf32>
    %dot_general3A_76 = tpu.matmul %convert_element_type3A, %squeeze3A_74, %dot_general3A_75 {dimension_numbers = #tpu.dot_dimension_numbers<[1], [0], [0], [1], [0, 0, 1, 1], [], []>, transpose_lhs_hint = false} : vector<256x128xbf16>, vector<128x128xbf16>, vector<256x128xf32> -> vector<256x128xf32>
    %swap3A_77 = arith.constant 7 : index
    %swap3A_78 = arith.constant 0 : index
    %swap3A_79 = arith.constant 0 : index
    %swap3A_80 = vector.load %arg3[%swap3A_77, %swap3A_78, %swap3A_79] : memref<27x256x128xf32, #tpu.memory_space<vmem>>, vector<1x256x128xf32>
    %swap3A_81 = vector.shape_cast %swap3A_80 : vector<1x256x128xf32> to vector<256x128xf32>
    %swap3A_82 = vector.shape_cast %dot_general3A_76 : vector<256x128xf32> to vector<1x256x128xf32>
    tpu.vector_store %arg3[%swap3A_77, %swap3A_78, %swap3A_79], %swap3A_82 {strides = array<i32>} : memref<27x256x128xf32, #tpu.memory_space<vmem>>, vector<1x256x128xf32>,
    %slice3A_83 = vector.extract_strided_slice %convert_element_type3A_6 {offsets = [8, 0, 0], sizes = [1, 128, 128], strides = [1, 1, 1]} : vector<27x128x128xbf16> to vector<1x128x128xbf16>
    %squeeze3A_84 = vector.shape_cast %slice3A_83 : vector<1x128x128xbf16> to vector<128x128xbf16>
    %dot_general3A_85 = arith.constant dense<0.000000e+00> : vector<256x128xf32>
    %dot_general3A_86 = tpu.matmul %convert_element_type3A, %squeeze3A_84, %dot_general3A_85 {dimension_numbers = #tpu.dot_dimension_numbers<[1], [0], [0], [1], [0, 0, 1, 1], [], []>, transpose_lhs_hint = false} : vector<256x128xbf16>, vector<128x128xbf16>, vector<256x128xf32> -> vector<256x128xf32>
    %swap3A_87 = arith.constant 8 : index
    %swap3A_88 = arith.constant 0 : index
    %swap3A_89 = arith.constant 0 : index
    %swap3A_90 = vector.load %arg3[%swap3A_87, %swap3A_88, %swap3A_89] : memref<27x256x128xf32, #tpu.memory_space<vmem>>, vector<1x256x128xf32>
    %swap3A_91 = vector.shape_cast %swap3A_90 : vector<1x256x128xf32> to vector<256x128xf32>
    %swap3A_92 = vector.shape_cast %dot_general3A_86 : vector<256x128xf32> to vector<1x256x128xf32>
    tpu.vector_store %arg3[%swap3A_87, %swap3A_88, %swap3A_89], %swap3A_92 {strides = array<i32>} : memref<27x256x128xf32, #tpu.memory_space<vmem>>, vector<1x256x128xf32>,
    %slice3A_93 = vector.extract_strided_slice %convert_element_type3A_6 {offsets = [9, 0, 0], sizes = [1, 128, 128], strides = [1, 1, 1]} : vector<27x128x128xbf16> to vector<1x128x128xbf16>
    %squeeze3A_94 = vector.shape_cast %slice3A_93 : vector<1x128x128xbf16> to vector<128x128xbf16>
    %dot_general3A_95 = arith.constant dense<0.000000e+00> : vector<256x128xf32>
    %dot_general3A_96 = tpu.matmul %convert_element_type3A, %squeeze3A_94, %dot_general3A_95 {dimension_numbers = #tpu.dot_dimension_numbers<[1], [0], [0], [1], [0, 0, 1, 1], [], []>, transpose_lhs_hint = false} : vector<256x128xbf16>, vector<128x128xbf16>, vector<256x128xf32> -> vector<256x128xf32>
    %swap3A_97 = arith.constant 9 : index
    %swap3A_98 = arith.constant 0 : index
    %swap3A_99 = arith.constant 0 : index
    %swap3A_100 = vector.load %arg3[%swap3A_97, %swap3A_98, %swap3A_99] : memref<27x256x128xf32, #tpu.memory_space<vmem>>, vector<1x256x128xf32>
    %swap3A_101 = vector.shape_cast %swap3A_100 : vector<1x256x128xf32> to vector<256x128xf32>
    %swap3A_102 = vector.shape_cast %dot_general3A_96 : vector<256x128xf32> to vector<1x256x128xf32>
    tpu.vector_store %arg3[%swap3A_97, %swap3A_98, %swap3A_99], %swap3A_102 {strides = array<i32>} : memref<27x256x128xf32, #tpu.memory_space<vmem>>, vector<1x256x128xf32>,
    %slice3A_103 = vector.extract_strided_slice %convert_element_type3A_6 {offsets = [10, 0, 0], sizes = [1, 128, 128], strides = [1, 1, 1]} : vector<27x128x128xbf16> to vector<1x128x128xbf16>
    %squeeze3A_104 = vector.shape_cast %slice3A_103 : vector<1x128x128xbf16> to vector<128x128xbf16>
    %dot_general3A_105 = arith.constant dense<0.000000e+00> : vector<256x128xf32>
    %dot_general3A_106 = tpu.matmul %convert_element_type3A, %squeeze3A_104, %dot_general3A_105 {dimension_numbers = #tpu.dot_dimension_numbers<[1], [0], [0], [1], [0, 0, 1, 1], [], []>, transpose_lhs_hint = false} : vector<256x128xbf16>, vector<128x128xbf16>, vector<256x128xf32> -> vector<256x128xf32>
    %swap3A_107 = arith.constant 10 : index
    %swap3A_108 = arith.constant 0 : index
    %swap3A_109 = arith.constant 0 : index
    %swap3A_110 = vector.load %arg3[%swap3A_107, %swap3A_108, %swap3A_109] : memref<27x256x128xf32, #tpu.memory_space<vmem>>, vector<1x256x128xf32>
    %swap3A_111 = vector.shape_cast %swap3A_110 : vector<1x256x128xf32> to vector<256x128xf32>
    %swap3A_112 = vector.shape_cast %dot_general3A_106 : vector<256x128xf32> to vector<1x256x128xf32>
    tpu.vector_store %arg3[%swap3A_107, %swap3A_108, %swap3A_109], %swap3A_112 {strides = array<i32>} : memref<27x256x128xf32, #tpu.memory_space<vmem>>, vector<1x256x128xf32>,
    %slice3A_113 = vector.extract_strided_slice %convert_element_type3A_6 {offsets = [11, 0, 0], sizes = [1, 128, 128], strides = [1, 1, 1]} : vector<27x128x128xbf16> to vector<1x128x128xbf16>
    %squeeze3A_114 = vector.shape_cast %slice3A_113 : vector<1x128x128xbf16> to vector<128x128xbf16>
    %dot_general3A_115 = arith.constant dense<0.000000e+00> : vector<256x128xf32>
    %dot_general3A_116 = tpu.matmul %convert_element_type3A, %squeeze3A_114, %dot_general3A_115 {dimension_numbers = #tpu.dot_dimension_numbers<[1], [0], [0], [1], [0, 0, 1, 1], [], []>, transpose_lhs_hint = false} : vector<256x128xbf16>, vector<128x128xbf16>, vector<256x128xf32> -> vector<256x128xf32>
    %swap3A_117 = arith.constant 11 : index
    %swap3A_118 = arith.constant 0 : index
    %swap3A_119 = arith.constant 0 : index
    %swap3A_120 = vector.load %arg3[%swap3A_117, %swap3A_118, %swap3A_119] : memref<27x256x128xf32, #tpu.memory_space<vmem>>, vector<1x256x128xf32>
    %swap3A_121 = vector.shape_cast %swap3A_120 : vector<1x256x128xf32> to vector<256x128xf32>
    %swap3A_122 = vector.shape_cast %dot_general3A_116 : vector<256x128xf32> to vector<1x256x128xf32>
    tpu.vector_store %arg3[%swap3A_117, %swap3A_118, %swap3A_119], %swap3A_122 {strides = array<i32>} : memref<27x256x128xf32, #tpu.memory_space<vmem>>, vector<1x256x128xf32>,
    %slice3A_123 = vector.extract_strided_slice %convert_element_type3A_6 {offsets = [12, 0, 0], sizes = [1, 128, 128], strides = [1, 1, 1]} : vector<27x128x128xbf16> to vector<1x128x128xbf16>
    %squeeze3A_124 = vector.shape_cast %slice3A_123 : vector<1x128x128xbf16> to vector<128x128xbf16>
    %dot_general3A_125 = arith.constant dense<0.000000e+00> : vector<256x128xf32>
    %dot_general3A_126 = tpu.matmul %convert_element_type3A, %squeeze3A_124, %dot_general3A_125 {dimension_numbers = #tpu.dot_dimension_numbers<[1], [0], [0], [1], [0, 0, 1, 1], [], []>, transpose_lhs_hint = false} : vector<256x128xbf16>, vector<128x128xbf16>, vector<256x128xf32> -> vector<256x128xf32>
    %swap3A_127 = arith.constant 12 : index
    %swap3A_128 = arith.constant 0 : index
    %swap3A_129 = arith.constant 0 : index
    %swap3A_130 = vector.load %arg3[%swap3A_127, %swap3A_128, %swap3A_129] : memref<27x256x128xf32, #tpu.memory_space<vmem>>, vector<1x256x128xf32>
    %swap3A_131 = vector.shape_cast %swap3A_130 : vector<1x256x128xf32> to vector<256x128xf32>
    %swap3A_132 = vector.shape_cast %dot_general3A_126 : vector<256x128xf32> to vector<1x256x128xf32>
    tpu.vector_store %arg3[%swap3A_127, %swap3A_128, %swap3A_129], %swap3A_132 {strides = array<i32>} : memref<27x256x128xf32, #tpu.memory_space<vmem>>, vector<1x256x128xf32>,
    %slice3A_133 = vector.extract_strided_slice %convert_element_type3A_6 {offsets = [13, 0, 0], sizes = [1, 128, 128], strides = [1, 1, 1]} : vector<27x128x128xbf16> to vector<1x128x128xbf16>
    %squeeze3A_134 = vector.shape_cast %slice3A_133 : vector<1x128x128xbf16> to vector<128x128xbf16>
    %dot_general3A_135 = arith.constant dense<0.000000e+00> : vector<256x128xf32>
    %dot_general3A_136 = tpu.matmul %convert_element_type3A, %squeeze3A_134, %dot_general3A_135 {dimension_numbers = #tpu.dot_dimension_numbers<[1], [0], [0], [1], [0, 0, 1, 1], [], []>, transpose_lhs_hint = false} : vector<256x128xbf16>, vector<128x128xbf16>, vector<256x128xf32> -> vector<256x128xf32>
    %swap3A_137 = arith.constant 13 : index
    %swap3A_138 = arith.constant 0 : index
    %swap3A_139 = arith.constant 0 : index
    %swap3A_140 = vector.load %arg3[%swap3A_137, %swap3A_138, %swap3A_139] : memref<27x256x128xf32, #tpu.memory_space<vmem>>, vector<1x256x128xf32>
    %swap3A_141 = vector.shape_cast %swap3A_140 : vector<1x256x128xf32> to vector<256x128xf32>
    %swap3A_142 = vector.shape_cast %dot_general3A_136 : vector<256x128xf32> to vector<1x256x128xf32>
    tpu.vector_store %arg3[%swap3A_137, %swap3A_138, %swap3A_139], %swap3A_142 {strides = array<i32>} : memref<27x256x128xf32, #tpu.memory_space<vmem>>, vector<1x256x128xf32>,
    %slice3A_143 = vector.extract_strided_slice %convert_element_type3A_6 {offsets = [14, 0, 0], sizes = [1, 128, 128], strides = [1, 1, 1]} : vector<27x128x128xbf16> to vector<1x128x128xbf16>
    %squeeze3A_144 = vector.shape_cast %slice3A_143 : vector<1x128x128xbf16> to vector<128x128xbf16>
    %dot_general3A_145 = arith.constant dense<0.000000e+00> : vector<256x128xf32>
    %dot_general3A_146 = tpu.matmul %convert_element_type3A, %squeeze3A_144, %dot_general3A_145 {dimension_numbers = #tpu.dot_dimension_numbers<[1], [0], [0], [1], [0, 0, 1, 1], [], []>, transpose_lhs_hint = false} : vector<256x128xbf16>, vector<128x128xbf16>, vector<256x128xf32> -> vector<256x128xf32>
    %swap3A_147 = arith.constant 14 : index
    %swap3A_148 = arith.constant 0 : index
    %swap3A_149 = arith.constant 0 : index
    %swap3A_150 = vector.load %arg3[%swap3A_147, %swap3A_148, %swap3A_149] : memref<27x256x128xf32, #tpu.memory_space<vmem>>, vector<1x256x128xf32>
    %swap3A_151 = vector.shape_cast %swap3A_150 : vector<1x256x128xf32> to vector<256x128xf32>
    %swap3A_152 = vector.shape_cast %dot_general3A_146 : vector<256x128xf32> to vector<1x256x128xf32>
    tpu.vector_store %arg3[%swap3A_147, %swap3A_148, %swap3A_149], %swap3A_152 {strides = array<i32>} : memref<27x256x128xf32, #tpu.memory_space<vmem>>, vector<1x256x128xf32>,
    %slice3A_153 = vector.extract_strided_slice %convert_element_type3A_6 {offsets = [15, 0, 0], sizes = [1, 128, 128], strides = [1, 1, 1]} : vector<27x128x128xbf16> to vector<1x128x128xbf16>
    %squeeze3A_154 = vector.shape_cast %slice3A_153 : vector<1x128x128xbf16> to vector<128x128xbf16>
    %dot_general3A_155 = arith.constant dense<0.000000e+00> : vector<256x128xf32>
    %dot_general3A_156 = tpu.matmul %convert_element_type3A, %squeeze3A_154, %dot_general3A_155 {dimension_numbers = #tpu.dot_dimension_numbers<[1], [0], [0], [1], [0, 0, 1, 1], [], []>, transpose_lhs_hint = false} : vector<256x128xbf16>, vector<128x128xbf16>, vector<256x128xf32> -> vector<256x128xf32>
    %swap3A_157 = arith.constant 15 : index
    %swap3A_158 = arith.constant 0 : index
    %swap3A_159 = arith.constant 0 : index
    %swap3A_160 = vector.load %arg3[%swap3A_157, %swap3A_158, %swap3A_159] : memref<27x256x128xf32, #tpu.memory_space<vmem>>, vector<1x256x128xf32>
    %swap3A_161 = vector.shape_cast %swap3A_160 : vector<1x256x128xf32> to vector<256x128xf32>
    %swap3A_162 = vector.shape_cast %dot_general3A_156 : vector<256x128xf32> to vector<1x256x128xf32>
    tpu.vector_store %arg3[%swap3A_157, %swap3A_158, %swap3A_159], %swap3A_162 {strides = array<i32>} : memref<27x256x128xf32, #tpu.memory_space<vmem>>, vector<1x256x128xf32>,
    %slice3A_163 = vector.extract_strided_slice %convert_element_type3A_6 {offsets = [16, 0, 0], sizes = [1, 128, 128], strides = [1, 1, 1]} : vector<27x128x128xbf16> to vector<1x128x128xbf16>
    %squeeze3A_164 = vector.shape_cast %slice3A_163 : vector<1x128x128xbf16> to vector<128x128xbf16>
    %dot_general3A_165 = arith.constant dense<0.000000e+00> : vector<256x128xf32>
    %dot_general3A_166 = tpu.matmul %convert_element_type3A, %squeeze3A_164, %dot_general3A_165 {dimension_numbers = #tpu.dot_dimension_numbers<[1], [0], [0], [1], [0, 0, 1, 1], [], []>, transpose_lhs_hint = false} : vector<256x128xbf16>, vector<128x128xbf16>, vector<256x128xf32> -> vector<256x128xf32>
    %swap3A_167 = arith.constant 16 : index
    %swap3A_168 = arith.constant 0 : index
    %swap3A_169 = arith.constant 0 : index
    %swap3A_170 = vector.load %arg3[%swap3A_167, %swap3A_168, %swap3A_169] : memref<27x256x128xf32, #tpu.memory_space<vmem>>, vector<1x256x128xf32>
    %swap3A_171 = vector.shape_cast %swap3A_170 : vector<1x256x128xf32> to vector<256x128xf32>
    %swap3A_172 = vector.shape_cast %dot_general3A_166 : vector<256x128xf32> to vector<1x256x128xf32>
    tpu.vector_store %arg3[%swap3A_167, %swap3A_168, %swap3A_169], %swap3A_172 {strides = array<i32>} : memref<27x256x128xf32, #tpu.memory_space<vmem>>, vector<1x256x128xf32>,
    %slice3A_173 = vector.extract_strided_slice %convert_element_type3A_6 {offsets = [17, 0, 0], sizes = [1, 128, 128], strides = [1, 1, 1]} : vector<27x128x128xbf16> to vector<1x128x128xbf16>
    %squeeze3A_174 = vector.shape_cast %slice3A_173 : vector<1x128x128xbf16> to vector<128x128xbf16>
    %dot_general3A_175 = arith.constant dense<0.000000e+00> : vector<256x128xf32>
    %dot_general3A_176 = tpu.matmul %convert_element_type3A, %squeeze3A_174, %dot_general3A_175 {dimension_numbers = #tpu.dot_dimension_numbers<[1], [0], [0], [1], [0, 0, 1, 1], [], []>, transpose_lhs_hint = false} : vector<256x128xbf16>, vector<128x128xbf16>, vector<256x128xf32> -> vector<256x128xf32>
    %swap3A_177 = arith.constant 17 : index
    %swap3A_178 = arith.constant 0 : index
    %swap3A_179 = arith.constant 0 : index
    %swap3A_180 = vector.load %arg3[%swap3A_177, %swap3A_178, %swap3A_179] : memref<27x256x128xf32, #tpu.memory_space<vmem>>, vector<1x256x128xf32>
    %swap3A_181 = vector.shape_cast %swap3A_180 : vector<1x256x128xf32> to vector<256x128xf32>
    %swap3A_182 = vector.shape_cast %dot_general3A_176 : vector<256x128xf32> to vector<1x256x128xf32>
    tpu.vector_store %arg3[%swap3A_177, %swap3A_178, %swap3A_179], %swap3A_182 {strides = array<i32>} : memref<27x256x128xf32, #tpu.memory_space<vmem>>, vector<1x256x128xf32>,
    %slice3A_183 = vector.extract_strided_slice %convert_element_type3A_6 {offsets = [18, 0, 0], sizes = [1, 128, 128], strides = [1, 1, 1]} : vector<27x128x128xbf16> to vector<1x128x128xbf16>
    %squeeze3A_184 = vector.shape_cast %slice3A_183 : vector<1x128x128xbf16> to vector<128x128xbf16>
    %dot_general3A_185 = arith.constant dense<0.000000e+00> : vector<256x128xf32>
    %dot_general3A_186 = tpu.matmul %convert_element_type3A, %squeeze3A_184, %dot_general3A_185 {dimension_numbers = #tpu.dot_dimension_numbers<[1], [0], [0], [1], [0, 0, 1, 1], [], []>, transpose_lhs_hint = false} : vector<256x128xbf16>, vector<128x128xbf16>, vector<256x128xf32> -> vector<256x128xf32>
    %swap3A_187 = arith.constant 18 : index
    %swap3A_188 = arith.constant 0 : index
    %swap3A_189 = arith.constant 0 : index
    %swap3A_190 = vector.load %arg3[%swap3A_187, %swap3A_188, %swap3A_189] : memref<27x256x128xf32, #tpu.memory_space<vmem>>, vector<1x256x128xf32>
    %swap3A_191 = vector.shape_cast %swap3A_190 : vector<1x256x128xf32> to vector<256x128xf32>
    %swap3A_192 = vector.shape_cast %dot_general3A_186 : vector<256x128xf32> to vector<1x256x128xf32>
    tpu.vector_store %arg3[%swap3A_187, %swap3A_188, %swap3A_189], %swap3A_192 {strides = array<i32>} : memref<27x256x128xf32, #tpu.memory_space<vmem>>, vector<1x256x128xf32>,
    %slice3A_193 = vector.extract_strided_slice %convert_element_type3A_6 {offsets = [19, 0, 0], sizes = [1, 128, 128], strides = [1, 1, 1]} : vector<27x128x128xbf16> to vector<1x128x128xbf16>
    %squeeze3A_194 = vector.shape_cast %slice3A_193 : vector<1x128x128xbf16> to vector<128x128xbf16>
    %dot_general3A_195 = arith.constant dense<0.000000e+00> : vector<256x128xf32>
    %dot_general3A_196 = tpu.matmul %convert_element_type3A, %squeeze3A_194, %dot_general3A_195 {dimension_numbers = #tpu.dot_dimension_numbers<[1], [0], [0], [1], [0, 0, 1, 1], [], []>, transpose_lhs_hint = false} : vector<256x128xbf16>, vector<128x128xbf16>, vector<256x128xf32> -> vector<256x128xf32>
    %swap3A_197 = arith.constant 19 : index
    %swap3A_198 = arith.constant 0 : index
    %swap3A_199 = arith.constant 0 : index
    %swap3A_200 = vector.load %arg3[%swap3A_197, %swap3A_198, %swap3A_199] : memref<27x256x128xf32, #tpu.memory_space<vmem>>, vector<1x256x128xf32>
    %swap3A_201 = vector.shape_cast %swap3A_200 : vector<1x256x128xf32> to vector<256x128xf32>
    %swap3A_202 = vector.shape_cast %dot_general3A_196 : vector<256x128xf32> to vector<1x256x128xf32>
    tpu.vector_store %arg3[%swap3A_197, %swap3A_198, %swap3A_199], %swap3A_202 {strides = array<i32>} : memref<27x256x128xf32, #tpu.memory_space<vmem>>, vector<1x256x128xf32>,
    %slice3A_203 = vector.extract_strided_slice %convert_element_type3A_6 {offsets = [20, 0, 0], sizes = [1, 128, 128], strides = [1, 1, 1]} : vector<27x128x128xbf16> to vector<1x128x128xbf16>
    %squeeze3A_204 = vector.shape_cast %slice3A_203 : vector<1x128x128xbf16> to vector<128x128xbf16>
    %dot_general3A_205 = arith.constant dense<0.000000e+00> : vector<256x128xf32>
    %dot_general3A_206 = tpu.matmul %convert_element_type3A, %squeeze3A_204, %dot_general3A_205 {dimension_numbers = #tpu.dot_dimension_numbers<[1], [0], [0], [1], [0, 0, 1, 1], [], []>, transpose_lhs_hint = false} : vector<256x128xbf16>, vector<128x128xbf16>, vector<256x128xf32> -> vector<256x128xf32>
    %swap3A_207 = arith.constant 20 : index
    %swap3A_208 = arith.constant 0 : index
    %swap3A_209 = arith.constant 0 : index
    %swap3A_210 = vector.load %arg3[%swap3A_207, %swap3A_208, %swap3A_209] : memref<27x256x128xf32, #tpu.memory_space<vmem>>, vector<1x256x128xf32>
    %swap3A_211 = vector.shape_cast %swap3A_210 : vector<1x256x128xf32> to vector<256x128xf32>
    %swap3A_212 = vector.shape_cast %dot_general3A_206 : vector<256x128xf32> to vector<1x256x128xf32>
    tpu.vector_store %arg3[%swap3A_207, %swap3A_208, %swap3A_209], %swap3A_212 {strides = array<i32>} : memref<27x256x128xf32, #tpu.memory_space<vmem>>, vector<1x256x128xf32>,
    %slice3A_213 = vector.extract_strided_slice %convert_element_type3A_6 {offsets = [21, 0, 0], sizes = [1, 128, 128], strides = [1, 1, 1]} : vector<27x128x128xbf16> to vector<1x128x128xbf16>
    %squeeze3A_214 = vector.shape_cast %slice3A_213 : vector<1x128x128xbf16> to vector<128x128xbf16>
    %dot_general3A_215 = arith.constant dense<0.000000e+00> : vector<256x128xf32>
    %dot_general3A_216 = tpu.matmul %convert_element_type3A, %squeeze3A_214, %dot_general3A_215 {dimension_numbers = #tpu.dot_dimension_numbers<[1], [0], [0], [1], [0, 0, 1, 1], [], []>, transpose_lhs_hint = false} : vector<256x128xbf16>, vector<128x128xbf16>, vector<256x128xf32> -> vector<256x128xf32>
    %swap3A_217 = arith.constant 21 : index
    %swap3A_218 = arith.constant 0 : index
    %swap3A_219 = arith.constant 0 : index
    %swap3A_220 = vector.load %arg3[%swap3A_217, %swap3A_218, %swap3A_219] : memref<27x256x128xf32, #tpu.memory_space<vmem>>, vector<1x256x128xf32>
    %swap3A_221 = vector.shape_cast %swap3A_220 : vector<1x256x128xf32> to vector<256x128xf32>
    %swap3A_222 = vector.shape_cast %dot_general3A_216 : vector<256x128xf32> to vector<1x256x128xf32>
    tpu.vector_store %arg3[%swap3A_217, %swap3A_218, %swap3A_219], %swap3A_222 {strides = array<i32>} : memref<27x256x128xf32, #tpu.memory_space<vmem>>, vector<1x256x128xf32>,
    %slice3A_223 = vector.extract_strided_slice %convert_element_type3A_6 {offsets = [22, 0, 0], sizes = [1, 128, 128], strides = [1, 1, 1]} : vector<27x128x128xbf16> to vector<1x128x128xbf16>
    %squeeze3A_224 = vector.shape_cast %slice3A_223 : vector<1x128x128xbf16> to vector<128x128xbf16>
    %dot_general3A_225 = arith.constant dense<0.000000e+00> : vector<256x128xf32>
    %dot_general3A_226 = tpu.matmul %convert_element_type3A, %squeeze3A_224, %dot_general3A_225 {dimension_numbers = #tpu.dot_dimension_numbers<[1], [0], [0], [1], [0, 0, 1, 1], [], []>, transpose_lhs_hint = false} : vector<256x128xbf16>, vector<128x128xbf16>, vector<256x128xf32> -> vector<256x128xf32>
    %swap3A_227 = arith.constant 22 : index
    %swap3A_228 = arith.constant 0 : index
    %swap3A_229 = arith.constant 0 : index
    %swap3A_230 = vector.load %arg3[%swap3A_227, %swap3A_228, %swap3A_229] : memref<27x256x128xf32, #tpu.memory_space<vmem>>, vector<1x256x128xf32>
    %swap3A_231 = vector.shape_cast %swap3A_230 : vector<1x256x128xf32> to vector<256x128xf32>
    %swap3A_232 = vector.shape_cast %dot_general3A_226 : vector<256x128xf32> to vector<1x256x128xf32>
    tpu.vector_store %arg3[%swap3A_227, %swap3A_228, %swap3A_229], %swap3A_232 {strides = array<i32>} : memref<27x256x128xf32, #tpu.memory_space<vmem>>, vector<1x256x128xf32>,
    %slice3A_233 = vector.extract_strided_slice %convert_element_type3A_6 {offsets = [23, 0, 0], sizes = [1, 128, 128], strides = [1, 1, 1]} : vector<27x128x128xbf16> to vector<1x128x128xbf16>
    %squeeze3A_234 = vector.shape_cast %slice3A_233 : vector<1x128x128xbf16> to vector<128x128xbf16>
    %dot_general3A_235 = arith.constant dense<0.000000e+00> : vector<256x128xf32>
    %dot_general3A_236 = tpu.matmul %convert_element_type3A, %squeeze3A_234, %dot_general3A_235 {dimension_numbers = #tpu.dot_dimension_numbers<[1], [0], [0], [1], [0, 0, 1, 1], [], []>, transpose_lhs_hint = false} : vector<256x128xbf16>, vector<128x128xbf16>, vector<256x128xf32> -> vector<256x128xf32>
    %swap3A_237 = arith.constant 23 : index
    %swap3A_238 = arith.constant 0 : index
    %swap3A_239 = arith.constant 0 : index
    %swap3A_240 = vector.load %arg3[%swap3A_237, %swap3A_238, %swap3A_239] : memref<27x256x128xf32, #tpu.memory_space<vmem>>, vector<1x256x128xf32>
    %swap3A_241 = vector.shape_cast %swap3A_240 : vector<1x256x128xf32> to vector<256x128xf32>
    %swap3A_242 = vector.shape_cast %dot_general3A_236 : vector<256x128xf32> to vector<1x256x128xf32>
    tpu.vector_store %arg3[%swap3A_237, %swap3A_238, %swap3A_239], %swap3A_242 {strides = array<i32>} : memref<27x256x128xf32, #tpu.memory_space<vmem>>, vector<1x256x128xf32>,
    %slice3A_243 = vector.extract_strided_slice %convert_element_type3A_6 {offsets = [24, 0, 0], sizes = [1, 128, 128], strides = [1, 1, 1]} : vector<27x128x128xbf16> to vector<1x128x128xbf16>
    %squeeze3A_244 = vector.shape_cast %slice3A_243 : vector<1x128x128xbf16> to vector<128x128xbf16>
    %dot_general3A_245 = arith.constant dense<0.000000e+00> : vector<256x128xf32>
    %dot_general3A_246 = tpu.matmul %convert_element_type3A, %squeeze3A_244, %dot_general3A_245 {dimension_numbers = #tpu.dot_dimension_numbers<[1], [0], [0], [1], [0, 0, 1, 1], [], []>, transpose_lhs_hint = false} : vector<256x128xbf16>, vector<128x128xbf16>, vector<256x128xf32> -> vector<256x128xf32>
    %swap3A_247 = arith.constant 24 : index
    %swap3A_248 = arith.constant 0 : index
    %swap3A_249 = arith.constant 0 : index
    %swap3A_250 = vector.load %arg3[%swap3A_247, %swap3A_248, %swap3A_249] : memref<27x256x128xf32, #tpu.memory_space<vmem>>, vector<1x256x128xf32>
    %swap3A_251 = vector.shape_cast %swap3A_250 : vector<1x256x128xf32> to vector<256x128xf32>
    %swap3A_252 = vector.shape_cast %dot_general3A_246 : vector<256x128xf32> to vector<1x256x128xf32>
    tpu.vector_store %arg3[%swap3A_247, %swap3A_248, %swap3A_249], %swap3A_252 {strides = array<i32>} : memref<27x256x128xf32, #tpu.memory_space<vmem>>, vector<1x256x128xf32>,
    %slice3A_253 = vector.extract_strided_slice %convert_element_type3A_6 {offsets = [25, 0, 0], sizes = [1, 128, 128], strides = [1, 1, 1]} : vector<27x128x128xbf16> to vector<1x128x128xbf16>
    %squeeze3A_254 = vector.shape_cast %slice3A_253 : vector<1x128x128xbf16> to vector<128x128xbf16>
    %dot_general3A_255 = arith.constant dense<0.000000e+00> : vector<256x128xf32>
    %dot_general3A_256 = tpu.matmul %convert_element_type3A, %squeeze3A_254, %dot_general3A_255 {dimension_numbers = #tpu.dot_dimension_numbers<[1], [0], [0], [1], [0, 0, 1, 1], [], []>, transpose_lhs_hint = false} : vector<256x128xbf16>, vector<128x128xbf16>, vector<256x128xf32> -> vector<256x128xf32>
    %swap3A_257 = arith.constant 25 : index
    %swap3A_258 = arith.constant 0 : index
    %swap3A_259 = arith.constant 0 : index
    %swap3A_260 = vector.load %arg3[%swap3A_257, %swap3A_258, %swap3A_259] : memref<27x256x128xf32, #tpu.memory_space<vmem>>, vector<1x256x128xf32>
    %swap3A_261 = vector.shape_cast %swap3A_260 : vector<1x256x128xf32> to vector<256x128xf32>
    %swap3A_262 = vector.shape_cast %dot_general3A_256 : vector<256x128xf32> to vector<1x256x128xf32>
    tpu.vector_store %arg3[%swap3A_257, %swap3A_258, %swap3A_259], %swap3A_262 {strides = array<i32>} : memref<27x256x128xf32, #tpu.memory_space<vmem>>, vector<1x256x128xf32>,
    %slice3A_263 = vector.extract_strided_slice %convert_element_type3A_6 {offsets = [26, 0, 0], sizes = [1, 128, 128], strides = [1, 1, 1]} : vector<27x128x128xbf16> to vector<1x128x128xbf16>
    %squeeze3A_264 = vector.shape_cast %slice3A_263 : vector<1x128x128xbf16> to vector<128x128xbf16>
    %dot_general3A_265 = arith.constant dense<0.000000e+00> : vector<256x128xf32>
    %dot_general3A_266 = tpu.matmul %convert_element_type3A, %squeeze3A_264, %dot_general3A_265 {dimension_numbers = #tpu.dot_dimension_numbers<[1], [0], [0], [1], [0, 0, 1, 1], [], []>, transpose_lhs_hint = false} : vector<256x128xbf16>, vector<128x128xbf16>, vector<256x128xf32> -> vector<256x128xf32>
    %swap3A_267 = arith.constant 26 : index
    %swap3A_268 = arith.constant 0 : index
    %swap3A_269 = arith.constant 0 : index
    %swap3A_270 = vector.load %arg3[%swap3A_267, %swap3A_268, %swap3A_269] : memref<27x256x128xf32, #tpu.memory_space<vmem>>, vector<1x256x128xf32>
    %swap3A_271 = vector.shape_cast %swap3A_270 : vector<1x256x128xf32> to vector<256x128xf32>
    %swap3A_272 = vector.shape_cast %dot_general3A_266 : vector<256x128xf32> to vector<1x256x128xf32>
    tpu.vector_store %arg3[%swap3A_267, %swap3A_268, %swap3A_269], %swap3A_272 {strides = array<i32>} : memref<27x256x128xf32, #tpu.memory_space<vmem>>, vector<1x256x128xf32>,
    return
  }
  func.func @transform_0(%arg0: i32) -> (i32, i32) {
    %c0_i32 = arith.constant 0 : i32
    %c0_i32_0 = arith.constant 0 : i32
    return %arg0, %c0_i32 : i32, i32
  }
  func.func @transform_1(%arg0: i32) -> (i32, i32, i32) {
    %c0_i32 = arith.constant 0 : i32
    %c0_i32_0 = arith.constant 0 : i32
    %c0_i32_1 = arith.constant 0 : i32
    %c0_i32_2 = arith.constant 0 : i32
    return %c0_i32, %c0_i32_0, %c0_i32_1 : i32, i32, i32
  }
  func.func @transform_2(%arg0: i32) -> (i32, i32, i32) {
    %c0_i32 = arith.constant 0 : i32
    %c0_i32_0 = arith.constant 0 : i32
    %c0_i32_1 = arith.constant 0 : i32
    return %c0_i32, %arg0, %c0_i32_0 : i32, i32, i32
  }
}

module attributes {stable_mosaic.version = 14 : i64} {
  func.func @_bn_body(%arg0: i32, %arg1: i32, %arg2: memref<2000x128xf32, #tpu.memory_space<vmem>>, %arg3: memref<1x128xf32, #tpu.memory_space<vmem>>, %arg4: memref<1x128xf32, #tpu.memory_space<vmem>>, %arg5: memref<2000x128xf32, #tpu.memory_space<vmem>>, %arg6: memref<1x128xf32, #tpu.memory_space<vmem>>, %arg7: memref<1x128xf32, #tpu.memory_space<vmem>>) attributes {dimension_semantics = [#tpu.dimension_semantics<arbitrary>, #tpu.dimension_semantics<arbitrary>], iteration_bounds = array<i64: 2, 5>, scalar_prefetch = 0 : i64, scratch_operands = 2 : i64, tpu.core_type = #tpu.core_type<tc>, window_params = [{transform_indices = @transform_0, window_bounds = array<i64: 2000, 128>}, {pipeline_mode = #tpu.pipeline_mode<synchronous>, transform_indices = @transform_1, window_bounds = array<i64: 1, 128>}, {pipeline_mode = #tpu.pipeline_mode<synchronous>, transform_indices = @transform_2, window_bounds = array<i64: 1, 128>}, {transform_indices = @transform_3, window_bounds = array<i64: 2000, 128>}]} {
    %get3A = arith.constant 0 : index
    %get3A_0 = arith.constant 0 : index
    %get3A_1 = vector.load %arg2[%get3A, %get3A_0] : memref<2000x128xf32, #tpu.memory_space<vmem>>, vector<2000x128xf32>
    %eq3A = arith.constant 0 : i32
    %eq3A_2 = arith.cmpi eq, %arg0, %eq3A : i32
    %eq3A_3 = arith.constant 0 : i32
    %eq3A_4 = arith.cmpi eq, %arg1, %eq3A_3 : i32
    %and3A = arith.andi %eq3A_2, %eq3A_4 : i1
    %convert_element_type3A = arith.extui %and3A : i1 to i32
    %cond3A = arith.constant 0 : i32
    %cond3A_5 = arith.cmpi ne, %convert_element_type3A, %cond3A : i32
    scf.if %cond3A_5 {
      %broadcast_in_dim3A = arith.constant 0.000000e+00 : f32
      %broadcast_in_dim3A_16 = vector.broadcast %broadcast_in_dim3A : f32 to vector<1x128xf32>
      %swap3A = arith.constant 0 : index
      %swap3A_17 = arith.constant 0 : index
      %swap3A_18 = vector.load %arg6[%swap3A, %swap3A_17] : memref<1x128xf32, #tpu.memory_space<vmem>>, vector<1x128xf32>
      tpu.vector_store %arg6[%swap3A, %swap3A_17], %broadcast_in_dim3A_16 {strides = array<i32>} : memref<1x128xf32, #tpu.memory_space<vmem>>, vector<1x128xf32>,
      %broadcast_in_dim3A_19 = arith.constant 0.000000e+00 : f32
      %broadcast_in_dim3A_20 = vector.broadcast %broadcast_in_dim3A_19 : f32 to vector<1x128xf32>
      %swap3A_21 = arith.constant 0 : index
      %swap3A_22 = arith.constant 0 : index
      %swap3A_23 = vector.load %arg7[%swap3A_21, %swap3A_22] : memref<1x128xf32, #tpu.memory_space<vmem>>, vector<1x128xf32>
      tpu.vector_store %arg7[%swap3A_21, %swap3A_22], %broadcast_in_dim3A_20 {strides = array<i32>} : memref<1x128xf32, #tpu.memory_space<vmem>>, vector<1x128xf32>,
    } else {
    }
    %eq3A_6 = arith.constant 0 : i32
    %eq3A_7 = arith.cmpi eq, %arg0, %eq3A_6 : i32
    %convert_element_type3A_8 = arith.extui %eq3A_7 : i1 to i32
    %cond3A_9 = arith.constant 0 : i32
    %cond3A_10 = arith.cmpi ne, %convert_element_type3A_8, %cond3A_9 : i32
    scf.if %cond3A_10 {
      %get3A_16 = arith.constant 0 : index
      %get3A_17 = arith.constant 0 : index
      %get3A_18 = vector.load %arg6[%get3A_16, %get3A_17] : memref<1x128xf32, #tpu.memory_space<vmem>>, vector<1x128xf32>
      %reduce_sum3A = arith.constant dense<0.000000e+00> : vector<128xf32>
      %reduce_sum3A_19 = vector.multi_reduction <add>, %get3A_1, %reduce_sum3A [0] : vector<2000x128xf32> to vector<128xf32>
      %broadcast_in_dim3A = vector.shape_cast %reduce_sum3A_19 : vector<128xf32> to vector<1x128xf32>
      %add3A = arith.addf %get3A_18, %broadcast_in_dim3A : vector<1x128xf32>
      %swap3A = arith.constant 0 : index
      %swap3A_20 = arith.constant 0 : index
      %swap3A_21 = vector.load %arg6[%swap3A, %swap3A_20] : memref<1x128xf32, #tpu.memory_space<vmem>>, vector<1x128xf32>
      tpu.vector_store %arg6[%swap3A, %swap3A_20], %add3A {strides = array<i32>} : memref<1x128xf32, #tpu.memory_space<vmem>>, vector<1x128xf32>,
      %get3A_22 = arith.constant 0 : index
      %get3A_23 = arith.constant 0 : index
      %get3A_24 = vector.load %arg7[%get3A_22, %get3A_23] : memref<1x128xf32, #tpu.memory_space<vmem>>, vector<1x128xf32>
      %mul3A = arith.mulf %get3A_1, %get3A_1 : vector<2000x128xf32>
      %reduce_sum3A_25 = arith.constant dense<0.000000e+00> : vector<128xf32>
      %reduce_sum3A_26 = vector.multi_reduction <add>, %mul3A, %reduce_sum3A_25 [0] : vector<2000x128xf32> to vector<128xf32>
      %broadcast_in_dim3A_27 = vector.shape_cast %reduce_sum3A_26 : vector<128xf32> to vector<1x128xf32>
      %add3A_28 = arith.addf %get3A_24, %broadcast_in_dim3A_27 : vector<1x128xf32>
      %swap3A_29 = arith.constant 0 : index
      %swap3A_30 = arith.constant 0 : index
      %swap3A_31 = vector.load %arg7[%swap3A_29, %swap3A_30] : memref<1x128xf32, #tpu.memory_space<vmem>>, vector<1x128xf32>
      tpu.vector_store %arg7[%swap3A_29, %swap3A_30], %add3A_28 {strides = array<i32>} : memref<1x128xf32, #tpu.memory_space<vmem>>, vector<1x128xf32>,
      %broadcast_in_dim3A_32 = arith.constant 0.000000e+00 : f32
      %broadcast_in_dim3A_33 = vector.broadcast %broadcast_in_dim3A_32 : f32 to vector<2000x128xf32>
      %swap3A_34 = arith.constant 0 : index
      %swap3A_35 = arith.constant 0 : index
      %swap3A_36 = vector.load %arg5[%swap3A_34, %swap3A_35] : memref<2000x128xf32, #tpu.memory_space<vmem>>, vector<2000x128xf32>
      tpu.vector_store %arg5[%swap3A_34, %swap3A_35], %broadcast_in_dim3A_33 {strides = array<i32>} : memref<2000x128xf32, #tpu.memory_space<vmem>>, vector<2000x128xf32>,
    } else {
    }
    %eq3A_11 = arith.constant 1 : i32
    %eq3A_12 = arith.cmpi eq, %arg0, %eq3A_11 : i32
    %convert_element_type3A_13 = arith.extui %eq3A_12 : i1 to i32
    %cond3A_14 = arith.constant 0 : i32
    %cond3A_15 = arith.cmpi ne, %convert_element_type3A_13, %cond3A_14 : i32
    scf.if %cond3A_15 {
      %get3A_16 = arith.constant 0 : index
      %get3A_17 = arith.constant 0 : index
      %get3A_18 = vector.load %arg6[%get3A_16, %get3A_17] : memref<1x128xf32, #tpu.memory_space<vmem>>, vector<1x128xf32>
      %mul3A = arith.constant 9.99999974E-5 : f32
      %mul3A_19 = vector.broadcast %mul3A : f32 to vector<1x128xf32>
      %mul3A_20 = arith.mulf %get3A_18, %mul3A_19 : vector<1x128xf32>
      %get3A_21 = arith.constant 0 : index
      %get3A_22 = arith.constant 0 : index
      %get3A_23 = vector.load %arg7[%get3A_21, %get3A_22] : memref<1x128xf32, #tpu.memory_space<vmem>>, vector<1x128xf32>
      %mul3A_24 = arith.constant 9.99999974E-5 : f32
      %mul3A_25 = vector.broadcast %mul3A_24 : f32 to vector<1x128xf32>
      %mul3A_26 = arith.mulf %get3A_23, %mul3A_25 : vector<1x128xf32>
      %mul3A_27 = arith.mulf %mul3A_20, %mul3A_20 : vector<1x128xf32>
      %sub3A = arith.subf %mul3A_26, %mul3A_27 : vector<1x128xf32>
      %add3A = arith.constant 9.99999974E-6 : f32
      %add3A_28 = vector.broadcast %add3A : f32 to vector<1x128xf32>
      %add3A_29 = arith.addf %sub3A, %add3A_28 : vector<1x128xf32>
      %rsqrt3A = math.rsqrt %add3A_29 : vector<1x128xf32>
      %get3A_30 = arith.constant 0 : index
      %get3A_31 = arith.constant 0 : index
      %get3A_32 = vector.load %arg3[%get3A_30, %get3A_31] : memref<1x128xf32, #tpu.memory_space<vmem>>, vector<1x128xf32>
      %mul3A_33 = arith.mulf %get3A_32, %rsqrt3A : vector<1x128xf32>
      %get3A_34 = arith.constant 0 : index
      %get3A_35 = arith.constant 0 : index
      %get3A_36 = vector.load %arg4[%get3A_34, %get3A_35] : memref<1x128xf32, #tpu.memory_space<vmem>>, vector<1x128xf32>
      %mul3A_37 = arith.mulf %mul3A_20, %mul3A_33 : vector<1x128xf32>
      %sub3A_38 = arith.subf %get3A_36, %mul3A_37 : vector<1x128xf32>
      %mul3A_39 = vector.broadcast %mul3A_33 : vector<1x128xf32> to vector<2000x128xf32>
      %mul3A_40 = arith.mulf %get3A_1, %mul3A_39 : vector<2000x128xf32>
      %add3A_41 = vector.broadcast %sub3A_38 : vector<1x128xf32> to vector<2000x128xf32>
      %add3A_42 = arith.addf %mul3A_40, %add3A_41 : vector<2000x128xf32>
      %ge3A = arith.constant 0.000000e+00 : f32
      %ge3A_43 = vector.broadcast %ge3A : f32 to vector<2000x128xf32>
      %ge3A_44 = arith.cmpf oge, %add3A_42, %ge3A_43 : vector<2000x128xf32>
      %mul3A_45 = arith.constant 0.00999999977 : f32
      %mul3A_46 = vector.broadcast %mul3A_45 : f32 to vector<2000x128xf32>
      %mul3A_47 = arith.mulf %mul3A_46, %add3A_42 : vector<2000x128xf32>
      %select_n3A = arith.select %ge3A_44, %add3A_42, %mul3A_47 : vector<2000x128xi1>, vector<2000x128xf32>
      %swap3A = arith.constant 0 : index
      %swap3A_48 = arith.constant 0 : index
      %swap3A_49 = vector.load %arg5[%swap3A, %swap3A_48] : memref<2000x128xf32, #tpu.memory_space<vmem>>, vector<2000x128xf32>
      tpu.vector_store %arg5[%swap3A, %swap3A_48], %select_n3A {strides = array<i32>} : memref<2000x128xf32, #tpu.memory_space<vmem>>, vector<2000x128xf32>,
    } else {
    }
    return
  }
  func.func @transform_0(%arg0: i32, %arg1: i32) -> (i32, i32) {
    %c0_i32 = arith.constant 0 : i32
    %c0_i32_0 = arith.constant 0 : i32
    return %arg1, %c0_i32 : i32, i32
  }
  func.func @transform_1(%arg0: i32, %arg1: i32) -> (i32, i32) {
    %c0_i32 = arith.constant 0 : i32
    %c0_i32_0 = arith.constant 0 : i32
    %c0_i32_1 = arith.constant 0 : i32
    return %c0_i32, %c0_i32_0 : i32, i32
  }
  func.func @transform_2(%arg0: i32, %arg1: i32) -> (i32, i32) {
    %c0_i32 = arith.constant 0 : i32
    %c0_i32_0 = arith.constant 0 : i32
    %c0_i32_1 = arith.constant 0 : i32
    return %c0_i32, %c0_i32_0 : i32, i32
  }
  func.func @transform_3(%arg0: i32, %arg1: i32) -> (i32, i32) {
    %c0_i32 = arith.constant 0 : i32
    %c0_i32_0 = arith.constant 0 : i32
    return %arg1, %c0_i32 : i32, i32
  }
}

</mosaic_0001>

<sc_bundles>
// kernel: kernel.5.cloned.1.call-start
scs
__scs_entry_jumppad:
0x0: {  	(pc) =	sbr.rel $0x88, $3  }
0x1: {  	(tag) =	ssettag $0x0;
	lr =	simm.s32 $0x1  }
0x2: {  	[smem:$0x3F9C] =	sst lr;
	_ =	strace $0xD0000000  }
0x3: {  	_ = 	snop  }
0x4: {  	_ = 	snop  }
0x5: {  	_ = 	snop  }
0x6: {  	_ = 	snop  }
0x7: {  	_ = 	snop  }
__scs_overlays_trampoline_lowered:
0x8: {  	[smem:$0x3FAB] =	sst s0  }
0x9: {  	[smem:$0x3FAC] =	sst s1  }
0xa: {  	[smem:$0x3FAD] =	sst s2  }
0xb: {  	[smem:$0x3FAE] =	sst s3  }
0xc: {  	[smem:$0x3FAF] =	sst s4  }
0xd: {  	[smem:$0x3FB0] =	sst s5  }
0xe: {  	[smem:$0x3FB1] =	sst s6  }
0xf: {  	[smem:$0x3FB2] =	sst s7  }
0x10: {  	[smem:$0x3FB3] =	sst s8  }
0x11: {  	[smem:$0x3FB4] =	sst s9;
	s0 =	simm.s32 @!p0 $0x0  }
0x12: {  	s1 =	sld [smem:$0x3F9A];
	s0 =	simm.s32 @p0 $0x1  }
0x13: {  	[smem:$0x3FB5] =	sst s0;
	s0 =	simm.s32 @!p1 $0x0  }
0x14: {  	s2 =	sld [smem:$0x3F99];
	s0 =	simm.s32 @p1 $0x1  }
0x15: {  	[smem:$0x3FB6] =	sst s0;
	s0 =	simm.s32 @!p2 $0x0  }
0x16: {  	s3 =	sld [smem:$0x3FDB];
	s0 =	simm.s32 @p2 $0x1  }
0x17: {  	s4 =	simm.s32 $0x1BF5;
	[smem:$0x3FB8] =	sst s0  }
0x18: {  	s0 =	sld [smem:$0x3F9B];
	_ =	swait.ge [sflag:s4], $0x0  }
0x19: {  	s7 =	sld [smem:$0x3F9C]  }
0x1a: {  	s8 =	sadd.s32 $0xFFFFE003, lr  }
0x1b: {  	s9 =	sadd.s32 $0xFFFFFEF7, lr;
	s5 =	simm.s32 $0xFFFFFFFF;
	p2 =	slt.u32 s8, $0xFFFFF086  }
0x1c: {  	p1 =	slt.u32 s9, $0xF7A;
	s5 =	simm.s32 @!p2 $0x0  }
0x1d: {  	s5 =	simm.s32 @p1 $0x1;
	p0 =	seq.s32 s7, s2  }
0x1e: {  	s7 =	smul.u32 @!p0 $0xF7A, s2;
	p2 =	seq.s32 @!p0 s5, $0x0  }
0x1f: {  	s9 =	smul.u32 $0xF7A, s1;
	s8 =	simm.s32 @!p0 $0x1BF5;
	p2 =	por !p2, p0  }
0x20: {  	[sflag:s8] =	ssyncset.s32 @!p0 $0xFFFFF086;
	s6 =	sadd.s32 @!p0 s3, s7;
	s7 =	simm.s32 @!p0 $0x108  }
0x21: {  	s3 =	sadd.s32 s3, s9;
	s6 =	sadd.s32 @!p0 $0x88, s6;
	s7 =	simm.s32 @p2 $0x1082  }
0x22: {  	[simem:s7], [sflag:s8] =	dma.local @!p0 [hbm:s6], $0xF7A  }
0x23: {  	s9 =	sor.u32 $0xD0000000, s2;
	s6 =	simm.s32 $0x108;
	_ =	swait.ge @!p0 [sflag:s8], $0x0  }
0x24: {  	s3 =	sadd.s32 $0x88, s3;
	s6 =	simm.s32 @!p1 $0x1082;
	[sflag:s4] =	ssyncset.s32 $0xFFFFF086  }
0x25: {  	[simem:s6], [sflag:s4] =	dma.local [hbm:s3], $0xF7A  }
0x26: {  	[smem:$0x3F9C] =	sst s1;
	(tag) =	ssettag s2;
	_ =	strace s9  }
0x27: {  	s1 =	sld [smem:$0x3FAC]  }
0x28: {  	s2 =	sld [smem:$0x3FAD]  }
0x29: {  	s4 =	sld [smem:$0x3FAF]  }
0x2a: {  	p0 =	seq.s32 s5, $0x0;
	s5 =	sld [smem:$0x3FB0]  }
0x2b: {  	s6 =	sld [smem:$0x3FB1]  }
0x2c: {  	s7 =	sld [smem:$0x3FB2]  }
0x2d: {  	s3 =	simm.s32 $0x108;
	s8 =	sld [smem:$0x3FB3]  }
0x2e: {  	s3 =	simm.s32 @!p0 $0x1082;
	s9 =	sld [smem:$0x3FB4]  }
0x2f: {  	lr =	sadd.s32 s0, s3;
	s0 =	sld [smem:$0x3FAB]  }
0x30: {  	s3 =	sld [smem:$0x3FAE]  }
0x31: {  	[smem:$0x3FB7] =	sst s10  }
0x32: {  	s10 =	sld [smem:$0x3FB5];
	_ =	sdelay $0x3  }
0x33: {  	p0 =	seq.s32 s10, $0x1;
	s10 =	sld [smem:$0x3FB7];
	_ =	sdelay $0x3  }
0x34: {  	[smem:$0x3FB7] =	sst s10  }
0x35: {  	s10 =	sld [smem:$0x3FB6];
	_ =	sdelay $0x3  }
0x36: {  	p1 =	seq.s32 s10, $0x1;
	s10 =	sld [smem:$0x3FB7];
	_ =	sdelay $0x3  }
0x37: {  	[smem:$0x3FB7] =	sst s10  }
0x38: {  	s10 =	sld [smem:$0x3FB8]  }
0x39: {  	_ = 	snop;
	(pc) =	sbr.ind lr, $3  }
0x3a: {  	_ = 	snop  }
0x3b: {  	_ = 	snop  }
0x3c: {  	p2 =	seq.s32 s10, $0x1;
	s10 =	sld [smem:$0x3FB7]  }
0x3d: {  	_ =	shalt  }
0x3e: {  	_ =	shalt  }
0x3f: {  	_ =	shalt  }
0x40: {  	_ =	shalt  }
0x41: {  	_ =	shalt  }
0x42: {  	_ =	shalt  }
0x43: {  	_ =	shalt  }
0x44: {  	_ =	shalt  }
0x45: {  	_ =	shalt  }
0x46: {  	_ =	shalt  }
0x47: {  	_ =	shalt  }
0x48: {  	_ =	shalt  }
0x49: {  	_ =	shalt  }
0x4a: {  	_ =	shalt  }
0x4b: {  	_ =	shalt  }
0x4c: {  	_ =	shalt  }
0x4d: {  	_ =	shalt  }
0x4e: {  	_ =	shalt  }
0x4f: {  	_ =	shalt  }
0x50: {  	_ =	shalt  }
0x51: {  	_ =	shalt  }
0x52: {  	_ =	shalt  }
0x53: {  	_ =	shalt  }
0x54: {  	_ =	shalt  }
0x55: {  	_ =	shalt  }
0x56: {  	_ =	shalt  }
0x57: {  	_ =	shalt  }
0x58: {  	_ =	shalt  }
0x59: {  	_ =	shalt  }
0x5a: {  	_ =	shalt  }
0x5b: {  	_ =	shalt  }
0x5c: {  	_ =	shalt  }
0x5d: {  	_ =	shalt  }
0x5e: {  	_ =	shalt  }
0x5f: {  	_ =	shalt  }
0x60: {  	_ =	shalt  }
0x61: {  	_ =	shalt  }
0x62: {  	_ =	shalt  }
0x63: {  	_ =	shalt  }
0x64: {  	_ =	shalt  }
0x65: {  	_ =	shalt  }
0x66: {  	_ =	shalt  }
0x67: {  	_ =	shalt  }
0x68: {  	_ =	shalt  }
0x69: {  	_ =	shalt  }
0x6a: {  	_ =	shalt  }
0x6b: {  	_ =	shalt  }
0x6c: {  	_ =	shalt  }
0x6d: {  	_ =	shalt  }
0x6e: {  	_ =	shalt  }
0x6f: {  	_ =	shalt  }
0x70: {  	_ =	shalt  }
0x71: {  	_ =	shalt  }
0x72: {  	_ =	shalt  }
0x73: {  	_ =	shalt  }
0x74: {  	_ =	shalt  }
0x75: {  	_ =	shalt  }
0x76: {  	_ =	shalt  }
0x77: {  	_ =	shalt  }
0x78: {  	_ =	shalt  }
0x79: {  	_ =	shalt  }
0x7a: {  	_ =	shalt  }
0x7b: {  	_ =	shalt  }
0x7c: {  	_ =	shalt  }
0x7d: {  	_ =	shalt  }
0x7e: {  	_ =	shalt  }
0x7f: {  	_ =	shalt  }
0x80: {  	_ =	shalt  }
0x81: {  	_ =	shalt  }
0x82: {  	_ =	shalt  }
0x83: {  	_ =	shalt  }
0x84: {  	_ =	shalt  }
0x85: {  	_ =	shalt  }
0x86: {  	_ =	shalt  }
0x87: {  	_ =	shalt  }
.Lfunc_end0:
.L_simem_size_0:
called_computation_lowered:
.L_overlay_start_0:
0x88: {  	s2 =	sld [smem:$0x3FD9]  }
0x89: {  	s3 =	sld [smem:$0x3FFE];
	_ =	sdelay $0x1  }
0x8a: {  	s1 =	srdreg.scid  }
0x8b: {  	s0 =	sand.u32 $0x1, s1  }
0x8c: {  	s16 =	sshll.u32 s0, $0xA;
	s2 =	sadd.s32 s3, s2  }
0x8d: {  	s2 =	sadd.s32 s2, s16  }
0x8e: {  	[smem:$0x3FC3] =	sst s2  }
0x8f: {  	_ = 	snop  }
0x90: {  	(tm) =	ssettm $0x1  }
0x91: {  	s17 =	sld [smem:$0x3FFB];
	_ =	sdelay $0x3  }
0x92: {  	_ =	strace s17  }
0x93: {  	s2 =	sld [smem:$0x3FFC];
	_ =	sdelay $0x3  }
0x94: {  	_ =	strace s2  }
0x95: {  	s2 =	sld [smem:$0x3FFD];
	_ =	sdelay $0x3  }
0x96: {  	_ =	strace s2  }
0x97: {  	_ =	strace $0x8FFFFFFF  }
0x98: {  	s18 =	sld [smem:$0x3FDB];
	_ =	sdelay $0x1  }
0x99: {  	s19 =	simm.s32 $_scs_section_size  }
0x9a: {  	s4 =	simm.s32 $_size__tile_overlayer_lowered;
	s5 =	simm.s32 $_tile_overlayer_lowered  }
0x9b: {  	s22 =	simm.s32 $0x1BFF;
	s21 =	sshll.u32 s5, $0x1;
	s2 =	sadd.s32 s19, s18  }
0x9c: {  	s6 =	simm.s32 $0x0;
	s20 =	sshll.u32 s4, $0x1;
	s4 =	sadd.s32 s21, s2  }
0x9d: {  	[timem:s6], [sflag:s22] =	dma.local [hbm:s4], s20  }
0x9e: {  	_ =	swait.ge [sflag:s22], s20  }
0x9f: {  	s3 =	ssub.s32 $0x0, s20;
	[sflag:s22] =	ssyncset.done $0x0  }
0xa0: {  	[sflag:s22] =	ssyncadd.s32 s3;
	_ =	sdelay $0x1  }
0xa1: {  	s23 =	simm.s32 $0x1B8B  }
0xa2: {  	_ =	swait.ge [sflag:s23], $0x1  }
0xa3: {  	[sflag:s23] =	ssyncset.done $0x0  }
0xa4: {  	s25 =	simm.s32 $0x1B8E;
	s24 =	sld [smem:$0x3FFE];
	[sflag:s23] =	ssyncadd.s32 $0xFFFFFFFF  }
0xa5: {  	s26 =	simm.s32 $execute0_lowered;
	[smem:$0x3FD2] =	sst s25  }
0xa6: {  	s4 =	sshll.u32 s26, $0x1;
	_ =	strace $0x80000046;
	[dreg:$0x1] =	wrdreg $0xFFFFFFFF  }
0xa7: {  	s28 =	simm.s32 $_size_execute0_lowered;
	s2 =	sadd.s32 s2, s4;
	[dreg:$0x0] =	wrdreg $0x0  }
0xa8: {  	s4 =	sshll.u32 s28, $0x1;
	[dreg:$0x2] =	wrdreg s2  }
0xa9: {  	[dreg:$0x3] =	wrdreg s4  }
0xaa: {  	[dreg:$0x4] =	wrdreg $0xC0  }
0xab: {  	_ =	task [dreg:s6], $0x5FFFF  }
0xac: {  	[dreg:$0x1] =	wrdreg $0xFFFFFFFF  }
0xad: {  	[dreg:$0x0] =	wrdreg $0x60  }
0xae: {  	[dreg:$0x2] =	wrdreg s24  }
0xaf: {  	[dreg:$0x3] =	wrdreg $0x9  }
0xb0: {  	_ =	task.clear_ibuf [dreg:s6], $0x4FFFF;
	_ =	strace $0x90000046  }
0xb1: {  	s29 =	simm.s32 $0x9;
	_ =	strace $0x80000048  }
0xb2: {  	_ =	swait.ge [sflag:s29], $0x1  }
0xb3: {  	[sflag:s29] =	ssyncadd.s32 $0xFFFFFFFF  }
0xb4: {  	_ =	strace $0x90000048  }
0xb5: {  	_ =	sfence  }
0xb6: {  	s30 =	sld [smem:$0x0];
	_ =	sdelay $0x2  }
0xb7: {  	s31 =	sshll.u32 s1, $0xD;
	s1 =	sshrl.u32 s1, $0x2  }
0xb8: {  	s3 =	sand.u32 $0x4000, s31;
	s1 =	sadd.s32 s1, s30  }
0xb9: {  	s0 =	sor.u32 s3, s0;
	s1 =	sshll.u32 s1, $0x11  }
0xba: {  	s0 =	sor.u32 s1, s0  }
0xbb: {  	s0 =	sadd.s32 $0x8F2B, s0  }
0xbc: {  	[sflag:s0] =	ssyncadd.remote.s32 $0x1  }
0xbd: {  	_ =	sfence.sel $0xFFFF  }
0xbe: {  	[dreg:$0x0] =	wrdreg $0xFFFFFFFF;
	(pc) =	sbr.abs _section_cstart, $3  }
0xbf: {  	[dreg:$0x1] =	wrdreg $0xFFFFFFFF  }
0xc0: {  	_ =	task.clear_ibuf [dreg:s6], $0x2FFFF;
	_ =	strace $0x9FFFFFFF  }
0xc1: {  	(tm) =	ssettm $0x7FFFFFFF  }
tec
execute0_lowered:
.L_overlay_start_1:
0x0: {  	(tag) =	ssettag $0x1  }
0x1: {  	s0 =	rddreg [dreg:$0x0];
	s2 =	simm.s32 $0x0  }
0x2: {  	s1 =	srdreg.scid;
	s9 =	stileid.u32;
	s10 =	simm.s32 $0xD800  }
0x3: {  	s11 =	simm.s32 $0x80;
	s12 =	simm.s32 $0xEC00;
	s14 =	simm.s32 $0x10000  }
0x4: {  	s16 =	simm.s32 $0x11400;
	s18 =	simm.s32 $0x12800;
	s20 =	simm.s32 $0x13C00  }
0x5: {  	s22 =	simm.s32 $0x15000;
	s24 =	simm.s32 $0x16400;
	s26 =	simm.s32 $0x17800  }
0x6: {  	s29 =	simm.s32 $0x18C00;
	s31 =	simm.s32 $0x1A000;
	s13 =	simm.s32 $0x600  }
0x7: {  	s15 =	simm.s32 $0x1C800;
	s17 =	simm.s32 $0x680;
	s19 =	simm.s32 $0x1DC00  }
0x8: {  	s21 =	simm.s32 $0x1;
	s23 =	simm.s32 $0x0;
	[smem:$0x7FF] =	sst s2  }
0x9: {  	s1 =	sand.u32 $0x1, s1;
	s4 =	sshll.u32 s9, $0x1;
	s5 =	smul.u32 $0x2800, s9  }
0xa: {  	s3 =	sadd.s32 $0x37400, s0;
	s6 =	sadd.s32 $0x46F400, s0;
	s9 =	smul.u32 $0x2300, s9  }
0xb: {  	_ =	strace $0x80000047;
	s4 =	sor.u32 s1, s4;
	s7 =	ssub.s32 $0x2, s1  }
.Ltmp0:
0xc: {  	p0 =	sne.s32 s1, $0x0;
	s1 =	simm.s32 $0x1B400;
	(pc) =	sbr.rel .LBB2_1-.Ltmp0, $4  }
0xd: {  	s4 =	smul.u32 $0x1B00, s4;
	s8 =	sshrl.u32 s7, $0x1;
	s5 =	sshrl.u32 s5, $0x3  }
0xe: {  	s7 =	ssub.s32 s7, s8;
	s5 =	sadd.s32 s6, s5;
	s6 =	sadd.s32 s6, s9  }
0xf: {  	s8 =	simm.s32 $0x2;
	s9 =	simm.s32 $0x28;
	s0 =	sadd.s32 s4, s0  }
0x10: {  	s5 =	sadd.s32 $0x23000, s5;
	s7 =	smax.u32 s7, $0x1;
	s4 =	sadd.s32 $0x1400, s0  }
.LBB2_9:
0x11: {  	[tilespmem:s12], [sflag:$0x1] =	stream.indirect.gather.add.f32 [hbm:s3], $0x80, s0, s9, $0xb8;
	[tilespmem:$0x1F000] =	vst v63  }
0x12: {  	_ =	swait.ge [sflag:s21], $0x1400  }
0x13: {  	[sflag:s21] =	ssyncset.done $0x0  }
0x14: {  	[sflag:s21] =	ssyncadd.s32 $0xFFFFEC00  }
0x15: {  	_ =	swait.ge [sflag:s21], $0x1400  }
0x16: {  	[sflag:s21] =	ssyncset.done $0x0  }
0x17: {  	[sflag:s21] =	ssyncadd.s32 $0xFFFFEC00  }
0x18: {  	[hbm4b:s5+s2] =	stream.linear.scatter [tilespmem:s10], [sflag:$0x2], $0x2800, $0x38;
	[tilespmem:$0x1F000] =	vst v63  }
0x19: {  	_ =	swait.ge [sflag:s8], $0x2800  }
0x1a: {  	[sflag:s8] =	ssyncset.done $0x0  }
0x1b: {  	[sflag:s8] =	ssyncadd.s32 $0xFFFFD800  }
.LBB2_10:
0x1c: {  	s23 =	sadd.s32 $0x1, s23  }
0x1d: {  	p1 =	sne.s32 s23, s7  }
.Ltmp1:
0x1e: {  	_ = 	snop;
	(pc) =	sbr.rel @!p1 .LBB2_11-.Ltmp1, $1  }
0x1f: {  	_ =	sdelay $0x3  }
.LBB2_1:
0x20: {  	s25 =	simm.s32 $0x100  }
0x21: {  	s0 =	sadd.s32 $0x0, s4;
	s28 =	simm.s32 $0x800;
	s30 =	simm.s32 $0x0  }
.LBB2_2:
0x22: {  	[tilespmem:s30], [sflag:$0x2] =	stream.linear.gather [hbm4b:s0+s2], $0x700, $0x38;
	[tilespmem:$0x1F000] =	vst v63  }
0x23: {  	s0 =	smov.u32 s25;
	s30 =	smov.u32 s28;
	p1 =	sne.s32 s25, $0x1A00  }
.Ltmp2:
0x24: {  	s25 =	sadd.s32 $0x100, s25;
	(pc) =	sbr.rel @p1 .LBB2_2-.Ltmp2, $2  }
0x25: {  	_ =	sdelay $0x2  }
0x26: {  	s28 =	sadd.s32 $0x800, s28;
	s0 =	sadd.s32 s0, s4  }
0x27: {  	[tilespmem:s30], [sflag:$0x2] =	stream.linear.gather [hbm4b:s0+s2], $0x700, $0x38;
	[tilespmem:$0x1F000] =	vst v63  }
0x28: {  	_ =	swait.ge [sflag:s8], $0xBD00  }
.Ltmp3:
0x29: {  	[sflag:s8] =	ssyncset.done $0x0;
	(pc) =	sbr.rel @p0 .LBB2_7-.Ltmp3, $4  }
0x2a: {  	[sflag:s8] =	ssyncadd.s32 $0xFFFF4300  }
0x2b: {  	[tilespmem:s10], [sflag:$0x1] =	stream.indirect.gather [hbm4b:s3+s9], $0x80, s2, s9, $0xb8;
	[tilespmem:$0x1F000] =	vst v63  }
0x2c: {  	_ = 	snop  }
0x2d: {  	[tilespmem:s12], [sflag:$0x1] =	stream.indirect.gather [hbm4b:s3+s9], $0x80, s11, s9, $0xb8;
	[tilespmem:$0x1F000] =	vst v63  }
0x2e: {  	s0 =	simm.s32 $0x100  }
0x2f: {  	[tilespmem:s14], [sflag:$0x1] =	stream.indirect.gather [hbm4b:s3+s9], $0x80, s0, s9, $0xb8;
	[tilespmem:$0x1F000] =	vst v63  }
0x30: {  	s30 =	simm.s32 $0x180  }
0x31: {  	[tilespmem:s16], [sflag:$0x1] =	stream.indirect.gather [hbm4b:s3+s9], $0x80, s30, s9, $0xb8;
	[tilespmem:$0x1F000] =	vst v63  }
0x32: {  	s25 =	simm.s32 $0x200  }
0x33: {  	[tilespmem:s18], [sflag:$0x1] =	stream.indirect.gather [hbm4b:s3+s9], $0x80, s25, s9, $0xb8;
	[tilespmem:$0x1F000] =	vst v63  }
0x34: {  	s28 =	simm.s32 $0x280  }
0x35: {  	[tilespmem:s20], [sflag:$0x1] =	stream.indirect.gather [hbm4b:s3+s9], $0x80, s28, s9, $0xb8;
	[tilespmem:$0x1F000] =	vst v63  }
0x36: {  	s30 =	simm.s32 $0x300  }
0x37: {  	[tilespmem:s22], [sflag:$0x1] =	stream.indirect.gather [hbm4b:s3+s9], $0x80, s30, s9, $0xb8;
	[tilespmem:$0x1F000] =	vst v63  }
0x38: {  	s25 =	simm.s32 $0x380  }
0x39: {  	[tilespmem:s24], [sflag:$0x1] =	stream.indirect.gather [hbm4b:s3+s9], $0x80, s25, s9, $0xb8;
	[tilespmem:$0x1F000] =	vst v63  }
0x3a: {  	s28 =	simm.s32 $0x400  }
0x3b: {  	[tilespmem:s26], [sflag:$0x1] =	stream.indirect.gather [hbm4b:s3+s9], $0x80, s28, s9, $0xb8;
	[tilespmem:$0x1F000] =	vst v63  }
0x3c: {  	s30 =	simm.s32 $0x480  }
0x3d: {  	[tilespmem:s29], [sflag:$0x1] =	stream.indirect.gather [hbm4b:s3+s9], $0x80, s30, s9, $0xb8;
	[tilespmem:$0x1F000] =	vst v63  }
0x3e: {  	s25 =	simm.s32 $0x500  }
0x3f: {  	[tilespmem:s31], [sflag:$0x1] =	stream.indirect.gather [hbm4b:s3+s9], $0x80, s25, s9, $0xb8;
	[tilespmem:$0x1F000] =	vst v63  }
0x40: {  	s28 =	simm.s32 $0x580  }
0x41: {  	[tilespmem:s1], [sflag:$0x1] =	stream.indirect.gather [hbm4b:s3+s9], $0x80, s28, s9, $0xb8;
	[tilespmem:$0x1F000] =	vst v63  }
0x42: {  	_ = 	snop  }
0x43: {  	[tilespmem:s15], [sflag:$0x1] =	stream.indirect.gather [hbm4b:s3+s9], $0x80, s13, s9, $0xb8;
	[tilespmem:$0x1F000] =	vst v63  }
0x44: {  	_ = 	snop  }
0x45: {  	[tilespmem:s19], [sflag:$0x1] =	stream.indirect.gather [hbm4b:s3+s9], $0x80, s17, s9, $0xb8;
	[tilespmem:$0x1F000] =	vst v63  }
0x46: {  	_ =	swait.ge [sflag:s21], $0x1400  }
0x47: {  	[sflag:s21] =	ssyncset.done $0x0  }
0x48: {  	s30 =	simm.s32 $0x800;
	[sflag:s21] =	ssyncadd.s32 $0xFFFFEC00  }
0x49: {  	[tilespmem:s10], [sflag:$0x1] =	stream.indirect.gather.add.f32 [hbm:s3], $0x80, s30, s9, $0xb8;
	[tilespmem:$0x1F000] =	vst v63  }
0x4a: {  	_ =	swait.ge [sflag:s21], $0x1400  }
0x4b: {  	[sflag:s21] =	ssyncset.done $0x0  }
0x4c: {  	s25 =	simm.s32 $0x880;
	[sflag:s21] =	ssyncadd.s32 $0xFFFFEC00  }
0x4d: {  	[tilespmem:s12], [sflag:$0x1] =	stream.indirect.gather.add.f32 [hbm:s3], $0x80, s25, s9, $0xb8;
	[tilespmem:$0x1F000] =	vst v63  }
0x4e: {  	_ =	swait.ge [sflag:s21], $0x1400  }
0x4f: {  	[sflag:s21] =	ssyncset.done $0x0  }
0x50: {  	s28 =	simm.s32 $0x900;
	[sflag:s21] =	ssyncadd.s32 $0xFFFFEC00  }
0x51: {  	[tilespmem:s14], [sflag:$0x1] =	stream.indirect.gather.add.f32 [hbm:s3], $0x80, s28, s9, $0xb8;
	[tilespmem:$0x1F000] =	vst v63  }
0x52: {  	_ =	swait.ge [sflag:s21], $0x1400  }
0x53: {  	[sflag:s21] =	ssyncset.done $0x0  }
0x54: {  	s30 =	simm.s32 $0x980;
	[sflag:s21] =	ssyncadd.s32 $0xFFFFEC00  }
0x55: {  	[tilespmem:s16], [sflag:$0x1] =	stream.indirect.gather.add.f32 [hbm:s3], $0x80, s30, s9, $0xb8;
	[tilespmem:$0x1F000] =	vst v63  }
0x56: {  	_ =	swait.ge [sflag:s21], $0x1400  }
0x57: {  	[sflag:s21] =	ssyncset.done $0x0  }
0x58: {  	s25 =	simm.s32 $0xA00;
	[sflag:s21] =	ssyncadd.s32 $0xFFFFEC00  }
0x59: {  	[tilespmem:s18], [sflag:$0x1] =	stream.indirect.gather.add.f32 [hbm:s3], $0x80, s25, s9, $0xb8;
	[tilespmem:$0x1F000] =	vst v63  }
0x5a: {  	_ =	swait.ge [sflag:s21], $0x1400  }
0x5b: {  	[sflag:s21] =	ssyncset.done $0x0  }
0x5c: {  	s28 =	simm.s32 $0xA80;
	[sflag:s21] =	ssyncadd.s32 $0xFFFFEC00  }
0x5d: {  	[tilespmem:s20], [sflag:$0x1] =	stream.indirect.gather.add.f32 [hbm:s3], $0x80, s28, s9, $0xb8;
	[tilespmem:$0x1F000] =	vst v63  }
0x5e: {  	_ =	swait.ge [sflag:s21], $0x1400  }
0x5f: {  	[sflag:s21] =	ssyncset.done $0x0  }
0x60: {  	s30 =	simm.s32 $0xB00;
	[sflag:s21] =	ssyncadd.s32 $0xFFFFEC00  }
0x61: {  	[tilespmem:s22], [sflag:$0x1] =	stream.indirect.gather.add.f32 [hbm:s3], $0x80, s30, s9, $0xb8;
	[tilespmem:$0x1F000] =	vst v63  }
0x62: {  	_ =	swait.ge [sflag:s21], $0x1400  }
0x63: {  	[sflag:s21] =	ssyncset.done $0x0  }
0x64: {  	s25 =	simm.s32 $0xB80;
	[sflag:s21] =	ssyncadd.s32 $0xFFFFEC00  }
0x65: {  	[tilespmem:s24], [sflag:$0x1] =	stream.indirect.gather.add.f32 [hbm:s3], $0x80, s25, s9, $0xb8;
	[tilespmem:$0x1F000] =	vst v63  }
0x66: {  	_ =	swait.ge [sflag:s21], $0x1400  }
0x67: {  	[sflag:s21] =	ssyncset.done $0x0  }
0x68: {  	s28 =	simm.s32 $0xC00;
	[sflag:s21] =	ssyncadd.s32 $0xFFFFEC00  }
0x69: {  	[tilespmem:s26], [sflag:$0x1] =	stream.indirect.gather.add.f32 [hbm:s3], $0x80, s28, s9, $0xb8;
	[tilespmem:$0x1F000] =	vst v63  }
0x6a: {  	_ =	swait.ge [sflag:s21], $0x1400  }
0x6b: {  	[sflag:s21] =	ssyncset.done $0x0  }
0x6c: {  	s30 =	simm.s32 $0xC80;
	[sflag:s21] =	ssyncadd.s32 $0xFFFFEC00  }
0x6d: {  	[tilespmem:s29], [sflag:$0x1] =	stream.indirect.gather.add.f32 [hbm:s3], $0x80, s30, s9, $0xb8;
	[tilespmem:$0x1F000] =	vst v63  }
0x6e: {  	_ =	swait.ge [sflag:s21], $0x1400  }
0x6f: {  	[sflag:s21] =	ssyncset.done $0x0  }
0x70: {  	s25 =	simm.s32 $0xD00;
	[sflag:s21] =	ssyncadd.s32 $0xFFFFEC00  }
0x71: {  	[tilespmem:s31], [sflag:$0x1] =	stream.indirect.gather.add.f32 [hbm:s3], $0x80, s25, s9, $0xb8;
	[tilespmem:$0x1F000] =	vst v63  }
0x72: {  	_ =	swait.ge [sflag:s21], $0x1400  }
0x73: {  	[sflag:s21] =	ssyncset.done $0x0  }
0x74: {  	s28 =	simm.s32 $0xD80;
	[sflag:s21] =	ssyncadd.s32 $0xFFFFEC00  }
0x75: {  	[tilespmem:s1], [sflag:$0x1] =	stream.indirect.gather.add.f32 [hbm:s3], $0x80, s28, s9, $0xb8;
	[tilespmem:$0x1F000] =	vst v63  }
0x76: {  	_ =	swait.ge [sflag:s21], $0x1400  }
0x77: {  	[sflag:s21] =	ssyncset.done $0x0  }
0x78: {  	s30 =	simm.s32 $0xE00;
	[sflag:s21] =	ssyncadd.s32 $0xFFFFEC00  }
0x79: {  	[tilespmem:s15], [sflag:$0x1] =	stream.indirect.gather.add.f32 [hbm:s3], $0x80, s30, s9, $0xb8;
	[tilespmem:$0x1F000] =	vst v63  }
0x7a: {  	_ =	swait.ge [sflag:s21], $0x1400  }
0x7b: {  	[sflag:s21] =	ssyncset.done $0x0  }
0x7c: {  	s0 =	simm.s32 $0xE80;
	s25 =	simm.s32 $0x2000;
	[sflag:s21] =	ssyncadd.s32 $0xFFFFEC00  }
.LBB2_5:
0x7d: {  	[tilespmem:s19], [sflag:$0x1] =	stream.indirect.gather.add.f32 [hbm:s3], $0x80, s0, s9, $0xb8;
	[tilespmem:$0x1F000] =	vst v63  }
0x7e: {  	s0 =	smov.u32 s25  }
0x7f: {  	p1 =	sne.s32 s25, $0x32000;
	s25 =	sadd.s32 $0x2000, s25;
	_ =	swait.ge [sflag:s21], $0x1400  }
0x80: {  	s28 =	sshra.s32 s0, $0x2;
	[sflag:s21] =	ssyncset.done $0x0  }
0x81: {  	s0 =	sadd.s32 $0x800, s28;
	[sflag:s21] =	ssyncadd.s32 $0xFFFFEC00  }
0x82: {  	[tilespmem:s10], [sflag:$0x1] =	stream.indirect.gather.add.f32 [hbm:s3], $0x80, s0, s9, $0xb8;
	[tilespmem:$0x1F000] =	vst v63  }
0x83: {  	_ =	swait.ge [sflag:s21], $0x1400  }
0x84: {  	[sflag:s21] =	ssyncset.done $0x0  }
0x85: {  	s0 =	sadd.s32 $0x880, s28;
	[sflag:s21] =	ssyncadd.s32 $0xFFFFEC00  }
0x86: {  	[tilespmem:s12], [sflag:$0x1] =	stream.indirect.gather.add.f32 [hbm:s3], $0x80, s0, s9, $0xb8;
	[tilespmem:$0x1F000] =	vst v63  }
0x87: {  	_ =	swait.ge [sflag:s21], $0x1400  }
0x88: {  	[sflag:s21] =	ssyncset.done $0x0  }
0x89: {  	s0 =	sadd.s32 $0x900, s28;
	[sflag:s21] =	ssyncadd.s32 $0xFFFFEC00  }
0x8a: {  	[tilespmem:s14], [sflag:$0x1] =	stream.indirect.gather.add.f32 [hbm:s3], $0x80, s0, s9, $0xb8;
	[tilespmem:$0x1F000] =	vst v63  }
0x8b: {  	_ =	swait.ge [sflag:s21], $0x1400  }
0x8c: {  	[sflag:s21] =	ssyncset.done $0x0  }
0x8d: {  	s0 =	sadd.s32 $0x980, s28;
	[sflag:s21] =	ssyncadd.s32 $0xFFFFEC00  }
0x8e: {  	[tilespmem:s16], [sflag:$0x1] =	stream.indirect.gather.add.f32 [hbm:s3], $0x80, s0, s9, $0xb8;
	[tilespmem:$0x1F000] =	vst v63  }
0x8f: {  	_ =	swait.ge [sflag:s21], $0x1400  }
0x90: {  	[sflag:s21] =	ssyncset.done $0x0  }
0x91: {  	s0 =	sadd.s32 $0xA00, s28;
	[sflag:s21] =	ssyncadd.s32 $0xFFFFEC00  }
0x92: {  	[tilespmem:s18], [sflag:$0x1] =	stream.indirect.gather.add.f32 [hbm:s3], $0x80, s0, s9, $0xb8;
	[tilespmem:$0x1F000] =	vst v63  }
0x93: {  	_ =	swait.ge [sflag:s21], $0x1400  }
0x94: {  	[sflag:s21] =	ssyncset.done $0x0  }
0x95: {  	s0 =	sadd.s32 $0xA80, s28;
	[sflag:s21] =	ssyncadd.s32 $0xFFFFEC00  }
0x96: {  	[tilespmem:s20], [sflag:$0x1] =	stream.indirect.gather.add.f32 [hbm:s3], $0x80, s0, s9, $0xb8;
	[tilespmem:$0x1F000] =	vst v63  }
0x97: {  	_ =	swait.ge [sflag:s21], $0x1400  }
0x98: {  	[sflag:s21] =	ssyncset.done $0x0  }
0x99: {  	s0 =	sadd.s32 $0xB00, s28;
	[sflag:s21] =	ssyncadd.s32 $0xFFFFEC00  }
0x9a: {  	[tilespmem:s22], [sflag:$0x1] =	stream.indirect.gather.add.f32 [hbm:s3], $0x80, s0, s9, $0xb8;
	[tilespmem:$0x1F000] =	vst v63  }
0x9b: {  	_ =	swait.ge [sflag:s21], $0x1400  }
0x9c: {  	[sflag:s21] =	ssyncset.done $0x0  }
0x9d: {  	s0 =	sadd.s32 $0xB80, s28;
	[sflag:s21] =	ssyncadd.s32 $0xFFFFEC00  }
0x9e: {  	[tilespmem:s24], [sflag:$0x1] =	stream.indirect.gather.add.f32 [hbm:s3], $0x80, s0, s9, $0xb8;
	[tilespmem:$0x1F000] =	vst v63  }
0x9f: {  	_ =	swait.ge [sflag:s21], $0x1400  }
0xa0: {  	[sflag:s21] =	ssyncset.done $0x0  }
0xa1: {  	s0 =	sadd.s32 $0xC00, s28;
	[sflag:s21] =	ssyncadd.s32 $0xFFFFEC00  }
0xa2: {  	[tilespmem:s26], [sflag:$0x1] =	stream.indirect.gather.add.f32 [hbm:s3], $0x80, s0, s9, $0xb8;
	[tilespmem:$0x1F000] =	vst v63  }
0xa3: {  	_ =	swait.ge [sflag:s21], $0x1400  }
0xa4: {  	[sflag:s21] =	ssyncset.done $0x0  }
0xa5: {  	s0 =	sadd.s32 $0xC80, s28;
	[sflag:s21] =	ssyncadd.s32 $0xFFFFEC00  }
0xa6: {  	[tilespmem:s29], [sflag:$0x1] =	stream.indirect.gather.add.f32 [hbm:s3], $0x80, s0, s9, $0xb8;
	[tilespmem:$0x1F000] =	vst v63  }
0xa7: {  	_ =	swait.ge [sflag:s21], $0x1400  }
0xa8: {  	[sflag:s21] =	ssyncset.done $0x0  }
0xa9: {  	s0 =	sadd.s32 $0xD00, s28;
	[sflag:s21] =	ssyncadd.s32 $0xFFFFEC00  }
0xaa: {  	[tilespmem:s31], [sflag:$0x1] =	stream.indirect.gather.add.f32 [hbm:s3], $0x80, s0, s9, $0xb8;
	[tilespmem:$0x1F000] =	vst v63  }
0xab: {  	_ =	swait.ge [sflag:s21], $0x1400  }
0xac: {  	[sflag:s21] =	ssyncset.done $0x0  }
0xad: {  	s0 =	sadd.s32 $0xD80, s28;
	[sflag:s21] =	ssyncadd.s32 $0xFFFFEC00  }
0xae: {  	[tilespmem:s1], [sflag:$0x1] =	stream.indirect.gather.add.f32 [hbm:s3], $0x80, s0, s9, $0xb8;
	[tilespmem:$0x1F000] =	vst v63  }
0xaf: {  	_ =	swait.ge [sflag:s21], $0x1400  }
0xb0: {  	[sflag:s21] =	ssyncset.done $0x0  }
.Ltmp4:
0xb1: {  	s0 =	sadd.s32 $0xE00, s28;
	[sflag:s21] =	ssyncadd.s32 $0xFFFFEC00;
	(pc) =	sbr.rel @p1 .LBB2_5-.Ltmp4, $4  }
0xb2: {  	[tilespmem:s15], [sflag:$0x1] =	stream.indirect.gather.add.f32 [hbm:s3], $0x80, s0, s9, $0xb8;
	[tilespmem:$0x1F000] =	vst v63  }
0xb3: {  	_ =	swait.ge [sflag:s21], $0x1400  }
0xb4: {  	[sflag:s21] =	ssyncset.done $0x0  }
0xb5: {  	s0 =	sadd.s32 $0xE80, s28;
	[sflag:s21] =	ssyncadd.s32 $0xFFFFEC00  }
0xb6: {  	[tilespmem:s19], [sflag:$0x1] =	stream.indirect.gather.add.f32 [hbm:s3], $0x80, s0, s9, $0xb8;
	[tilespmem:$0x1F000] =	vst v63  }
0xb7: {  	_ =	swait.ge [sflag:s21], $0x1400  }
0xb8: {  	[sflag:s21] =	ssyncset.done $0x0  }
0xb9: {  	[sflag:s21] =	ssyncadd.s32 $0xFFFFEC00  }
0xba: {  	_ =	swait.ge [sflag:s21], $0x1400  }
0xbb: {  	[sflag:s21] =	ssyncset.done $0x0  }
0xbc: {  	[sflag:s21] =	ssyncadd.s32 $0xFFFFEC00  }
0xbd: {  	_ =	swait.ge [sflag:s21], $0x1400  }
0xbe: {  	[sflag:s21] =	ssyncset.done $0x0  }
0xbf: {  	[sflag:s21] =	ssyncadd.s32 $0xFFFFEC00  }
0xc0: {  	_ =	swait.ge [sflag:s21], $0x1400  }
0xc1: {  	[sflag:s21] =	ssyncset.done $0x0  }
0xc2: {  	[sflag:s21] =	ssyncadd.s32 $0xFFFFEC00  }
0xc3: {  	_ =	swait.ge [sflag:s21], $0x1400  }
0xc4: {  	[sflag:s21] =	ssyncset.done $0x0  }
0xc5: {  	[sflag:s21] =	ssyncadd.s32 $0xFFFFEC00  }
0xc6: {  	_ =	swait.ge [sflag:s21], $0x1400  }
0xc7: {  	[sflag:s21] =	ssyncset.done $0x0  }
0xc8: {  	[sflag:s21] =	ssyncadd.s32 $0xFFFFEC00  }
0xc9: {  	_ =	swait.ge [sflag:s21], $0x1400  }
0xca: {  	[sflag:s21] =	ssyncset.done $0x0  }
0xcb: {  	[sflag:s21] =	ssyncadd.s32 $0xFFFFEC00  }
0xcc: {  	_ =	swait.ge [sflag:s21], $0x1400  }
0xcd: {  	[sflag:s21] =	ssyncset.done $0x0  }
0xce: {  	[sflag:s21] =	ssyncadd.s32 $0xFFFFEC00  }
0xcf: {  	_ =	swait.ge [sflag:s21], $0x1400  }
0xd0: {  	[sflag:s21] =	ssyncset.done $0x0  }
0xd1: {  	[sflag:s21] =	ssyncadd.s32 $0xFFFFEC00  }
0xd2: {  	_ =	swait.ge [sflag:s21], $0x1400  }
0xd3: {  	[sflag:s21] =	ssyncset.done $0x0  }
0xd4: {  	[sflag:s21] =	ssyncadd.s32 $0xFFFFEC00  }
0xd5: {  	_ =	swait.ge [sflag:s21], $0x1400  }
0xd6: {  	[sflag:s21] =	ssyncset.done $0x0  }
0xd7: {  	[sflag:s21] =	ssyncadd.s32 $0xFFFFEC00  }
0xd8: {  	_ =	swait.ge [sflag:s21], $0x1400  }
0xd9: {  	[sflag:s21] =	ssyncset.done $0x0  }
0xda: {  	[sflag:s21] =	ssyncadd.s32 $0xFFFFEC00  }
0xdb: {  	_ =	swait.ge [sflag:s21], $0x1400  }
0xdc: {  	[sflag:s21] =	ssyncset.done $0x0  }
0xdd: {  	[sflag:s21] =	ssyncadd.s32 $0xFFFFEC00  }
0xde: {  	_ =	swait.ge [sflag:s21], $0x1400  }
0xdf: {  	[sflag:s21] =	ssyncset.done $0x0  }
.Ltmp5:
0xe0: {  	[sflag:s21] =	ssyncadd.s32 $0xFFFFEC00;
	(pc) =	sbr.rel .LBB2_10-.Ltmp5, $4  }
0xe1: {  	[hbm4b:s6+s2] =	stream.linear.scatter [tilespmem:s10], [sflag:$0x2], $0x11800, $0x38;
	[tilespmem:$0x1F000] =	vst v63  }
0xe2: {  	_ =	swait.ge [sflag:s8], $0x11800  }
0xe3: {  	[sflag:s8] =	ssyncset.done $0x0  }
0xe4: {  	[sflag:s8] =	ssyncadd.s32 $0xFFFEE800  }
.LBB2_7:
0xe5: {  	_ =	swait.ge [sflag:s21], $0x1400  }
0xe6: {  	[sflag:s21] =	ssyncset.done $0x0  }
0xe7: {  	s0 =	simm.s32 $0x800;
	[sflag:s21] =	ssyncadd.s32 $0xFFFFEC00  }
0xe8: {  	[tilespmem:s10], [sflag:$0x1] =	stream.indirect.gather.add.f32 [hbm:s3], $0x80, s0, s9, $0xb8;
	[tilespmem:$0x1F000] =	vst v63  }
0xe9: {  	_ =	swait.ge [sflag:s21], $0x1400  }
0xea: {  	[sflag:s21] =	ssyncset.done $0x0  }
0xeb: {  	s25 =	simm.s32 $0xFFFCE000;
	s0 =	simm.s32 $0x880;
	[sflag:s21] =	ssyncadd.s32 $0xFFFFEC00  }
.LBB2_8:
0xec: {  	[tilespmem:s12], [sflag:$0x1] =	stream.indirect.gather.add.f32 [hbm:s3], $0x80, s0, s9, $0xb8;
	[tilespmem:$0x1F000] =	vst v63  }
0xed: {  	s0 =	smov.u32 s25  }
0xee: {  	p1 =	sne.s32 s25, $0xFFFFE000;
	s25 =	sadd.s32 $0x2000, s25;
	_ =	swait.ge [sflag:s21], $0x1400  }
0xef: {  	s0 =	sshra.s32 s0, $0x2;
	[sflag:s21] =	ssyncset.done $0x0  }
.Ltmp6:
0xf0: {  	s28 =	sadd.s32 $0xD800, s0;
	[sflag:s21] =	ssyncadd.s32 $0xFFFFEC00;
	(pc) =	sbr.rel @p1 .LBB2_8-.Ltmp6, $4  }
0xf1: {  	[tilespmem:s10], [sflag:$0x1] =	stream.indirect.gather.add.f32 [hbm:s3], $0x80, s28, s9, $0xb8;
	[tilespmem:$0x1F000] =	vst v63  }
0xf2: {  	_ =	swait.ge [sflag:s21], $0x1400  }
0xf3: {  	[sflag:s21] =	ssyncset.done $0x0  }
0xf4: {  	s0 =	sadd.s32 $0xD880, s0;
	[sflag:s21] =	ssyncadd.s32 $0xFFFFEC00  }
.Ltmp7:
0xf5: {  	_ = 	snop;
	(pc) =	sbr.rel .LBB2_9-.Ltmp7, $1  }
0xf6: {  	_ =	sdelay $0x3  }
.LBB2_11:
0xf7: {  	_ =	sfence.sel $0x180000  }
0xf8: {  	[bflag:$0x0] =	sbarrier.arrive $0xFFFF  }
0xf9: {  	_ =	strace $0x90000047  }
0xfa: {  	s0 =	stileid.u32;
	[bflag:$0x2] =	sbarrier.arrive $0xFFFF  }
0xfb: {  	p0 =	sne.s32 s0, $0x0;
	s0 =	rddreg [dreg:$0x1]  }
0xfc: {  	s0 =	sadd.s32 @!p0 $0x100000, s0  }
0xfd: {  	[sflag:s0] =	ssyncadd.tile.s32 @!p0 $0x1;
	_ =	shalt  }
.Lfunc_end2:
_tile_overlayer_lowered:
.L_overlay_start_2:
0xfe: {  	(tag) =	ssettag $0x2  }
0xff: {  	s0 =	rddreg [dreg:$0x0];
	s2 =	stileid.u32  }
0x100: {  	s1 =	rddreg [dreg:$0x1];
	p0 =	sne.s32 s2, $0x0  }
0x101: {  	s3 =	rddreg [dreg:$0x2];
	[bflag:$0x3] =	sbarrier.arrive $0xFFFF;
	s2 =	simm.s32 @!p0 $0x1C02  }
0x102: {  	[timem:s3], [sflag:s2] =	dma.local @!p0 [hbm:s0], s1  }
0x103: {  	s0 =	simm.s32 @!p0 $0x2  }
0x104: {  	_ =	swait.ge @!p0 [sflag:s0], s1  }
0x105: {  	s1 =	ssub.s32 @!p0 $0x0, s1;
	[sflag:s0] =	ssyncset.done @!p0 $0x0  }
0x106: {  	[sflag:s0] =	ssyncadd.s32 @!p0 s1  }
0x107: {  	[bflag:$0x3] =	sbarrier.arrive $0xFFFF  }
0x108: {  	_ =	shalt  }

</sc_bundles>
